<compile_context>
chip_gen: v7x
topology: tpu7x:2x2x1
jax: 0.10.2.dev20260603
libtpu: 0.0.44.dev20260713+nightly
codegen_flags: <defaults>
</compile_context>

<pallas_src>
import jax
import jax.numpy as jnp
from jax import lax
from jax.experimental import pallas as pl
from jax.experimental.pallas import tpu as pltpu
from jax.experimental.pallas import tpu_sc as plsc

N = 1_000_000
N_BINS = 20_000
SBINS = 20_480
K = 65_536
KPAD = K + 256
NW = 32
PER_W = 31_744
NPAD = NW * PER_W
VECS = PER_W // 16
HALF = PER_W // 2
HVECS = HALF // 16
UNROLL = 32
ZUNROLL = 32
_MESH = plsc.VectorSubcoreMesh(core_axis_name="c", subcore_axis_name="s")
_SC_PARAMS = pltpu.CompilerParams(
    needs_layout_passes=False, use_tc_tiling_on_sc=False
)


def _hist_body(conf_hbm, hist_hbm, conf_v, hist_v):
    wid = lax.axis_index("s") * 2 + lax.axis_index("c")
    zeros16 = jnp.zeros((16,), jnp.int32)

    def zbody(i, carry):
        for u in range(ZUNROLL):
            hist_v[pl.ds(i * (16 * ZUNROLL) + u * 16, 16)] = zeros16
        return carry

    lax.fori_loop(0, KPAD // (16 * ZUNROLL), zbody, None)
    pltpu.sync_copy(conf_hbm.at[wid], conf_v)
    ones16 = jnp.ones((16,), jnp.int32)

    def body(i, carry):
        for u in range(UNROLL):
            c = conf_v[pl.ds(i * (16 * UNROLL) + u * 16, 16)]
            k = (c * 65536.0).astype(jnp.int32)
            plsc.addupdate_scatter(hist_v, [k], ones16)
        return carry

    lax.fori_loop(0, VECS // UNROLL, body, None)
    pltpu.sync_copy(hist_v.at[pl.ds(0, K)], hist_hbm.at[wid])


_hist = pl.kernel(
    _hist_body,
    out_type=jax.ShapeDtypeStruct((NW, K), jnp.int32),
    mesh=_MESH,
    compiler_params=_SC_PARAMS,
    scratch_types=[
        pltpu.VMEM((PER_W,), jnp.float32),
        pltpu.VMEM((KPAD,), jnp.int32),
    ],
)


def _prefix_body(h_ref, b_ref, carry):
    @pl.when(pl.program_id(0) == 0)
    def _():
        carry[0] = 0

    x = jnp.sum(h_ref[...], axis=0).astype(jnp.float32)
    i = lax.broadcasted_iota(jnp.int32, (128, 128), 0)
    j = lax.broadcasted_iota(jnp.int32, (128, 128), 1)
    tu = (i <= j).astype(jnp.float32)
    inc = jax.lax.dot(x, tu)
    i2 = lax.broadcasted_iota(jnp.int32, (32, 32), 0)
    j2 = lax.broadcasted_iota(jnp.int32, (32, 32), 1)
    sl = (j2 < i2).astype(jnp.float32)
    t = jnp.sum(x, axis=1, keepdims=True)
    ro = jax.lax.dot(sl, t)
    rank = (inc - x + ro).astype(jnp.int32) + carry[0]
    q = (rank.astype(jnp.float32) * (1.0 / 50.0)).astype(jnp.int32)
    rem = rank - q * 50
    q = jnp.where(rem >= 50, q + 1, q)
    q = jnp.where(rem < 0, q - 1, q)
    b_ref[...] = jnp.minimum(q, N_BINS - 1)
    carry[0] = carry[0] + jnp.sum(x).astype(jnp.int32)


_prefix = pl.pallas_call(
    _prefix_body,
    grid=(K // 4096,),
    in_specs=[pl.BlockSpec((NW, 32, 128), lambda i: (0, i, 0))],
    out_specs=pl.BlockSpec((32, 128), lambda i: (i, 0)),
    out_shape=jax.ShapeDtypeStruct((K // 128, 128), jnp.int32),
    scratch_shapes=[pltpu.SMEM((1,), jnp.int32)],
)


def _bin_body(conf_hbm, bt_hbm, s_hbm, bt_v, s_v, conf_v):
    wid = lax.axis_index("s") * 2 + lax.axis_index("c")
    zeros16f = jnp.zeros((16,), jnp.float32)

    def zbody(i, carry):
        for u in range(ZUNROLL):
            s_v[pl.ds(i * (16 * ZUNROLL) + u * 16, 16)] = zeros16f
        return carry

    lax.fori_loop(0, SBINS // (16 * ZUNROLL), zbody, None)
    pltpu.sync_copy(bt_hbm, bt_v)
    pltpu.sync_copy(conf_hbm.at[wid], conf_v)
    ones16 = jnp.full((16,), 1, jnp.int32)

    def body(i, carry):
        for u in range(UNROLL):
            off = i * (16 * UNROLL) + u * 16
            c = conf_v[pl.ds(off, 16)]
            a = plsc.bitcast(c, jnp.int32) & ones16
            k = (c * 65536.0).astype(jnp.int32)
            b = plsc.load_gather(bt_v, [k])
            plsc.addupdate_scatter(s_v, [b], a.astype(jnp.float32) - c)
        return carry

    lax.fori_loop(0, VECS // UNROLL, body, None)
    pltpu.sync_copy(s_v, s_hbm.at[wid])


_bin = pl.kernel(
    _bin_body,
    out_type=jax.ShapeDtypeStruct((NW, SBINS), jnp.float32),
    mesh=_MESH,
    compiler_params=_SC_PARAMS,
    scratch_types=[
        pltpu.VMEM((KPAD,), jnp.int32),
        pltpu.VMEM((SBINS,), jnp.float32),
        pltpu.VMEM((PER_W,), jnp.float32),
    ],
)


def _final_body(s_ref, o_ref):
    s = jnp.sum(s_ref[...], axis=0, keepdims=True)
    o_ref[0, 0] = jnp.sum(jnp.abs(s)) * (1.0 / N)


_final = pl.pallas_call(
    _final_body,
    out_shape=jax.ShapeDtypeStruct((1, 1), jnp.float32),
    out_specs=pl.BlockSpec(memory_space=pltpu.SMEM),
)


def kernel(confidence, accuracy):
    ci = jax.lax.bitcast_convert_type(confidence, jnp.int32)
    packed = jax.lax.bitcast_convert_type(
        (ci & ~jnp.int32(1)) | accuracy.astype(jnp.int32), jnp.float32
    )
    conf = jnp.concatenate(
        [packed, jnp.full((NPAD - N,), 1.0000001, jnp.float32)]
    ).reshape(NW, PER_W)
    hists = _hist(conf)
    btab = _prefix(hists.reshape(NW, K // 128, 128)).reshape(K)
    btab = jnp.concatenate(
        [btab, jnp.full((KPAD - K,), N_BINS - 1, jnp.int32)]
    )
    s = _bin(conf, btab)
    return _final(s)[0, 0]

# --- scband reference (transcript-rebuilt; emitter-appended) ---
"""Pipeline reference for scband-ece-21423296872465 (READ-ONLY COPY).

The authoritative reference and input builder live on the scoring server;
editing this copy changes nothing except your own understanding.
"""

import jax, jax.numpy as jnp
import numpy as np

NUM_PER_BIN = 50
N = 1000000


def setup_inputs(seed: int = 0) -> dict:
    key = jax.random.key(seed)
    k1, k2 = jax.random.split(key)
    confidence = jax.random.uniform(k1, (N,), dtype=jnp.float32)
    accuracy = jax.random.randint(k2, (N,), 0, 2, dtype=jnp.int32)
    return {"confidence": confidence, "accuracy": accuracy}


def _bin_edges(conf_sorted, num_per_bin):
    # Adaptive equal-count bin edges: each bin holds num_per_bin sorted samples.
    n = conf_sorted.shape[0]
    n_bins = n // num_per_bin
    upper = conf_sorted[num_per_bin - 1::num_per_bin][:n_bins]
    edges = jnp.concatenate([conf_sorted[:1], upper])
    return edges  # length n_bins + 1


def reference(confidence, accuracy):
    acc = accuracy.astype(jnp.float32)
    sorted_idx = jnp.argsort(confidence)
    conf_sorted = jnp.take(confidence, sorted_idx)
    acc_sorted = jnp.take(acc, sorted_idx)

    edges = _bin_edges(conf_sorted, NUM_PER_BIN)
    n_bins = edges.shape[0] - 1

    # bin i (i>0) is (edges[i], edges[i+1]]; bin 0 is [edges[0], edges[1]].
    # searchsorted(edges[1:], c, side='left') maps c to its right-inclusive bin.
    bin_id = jnp.searchsorted(jax.lax.stop_gradient(edges[1:]),
                              jax.lax.stop_gradient(conf_sorted), side='left')
    bin_id = jnp.clip(bin_id, 0, n_bins - 1)

    counts = jax.ops.segment_sum(jnp.ones_like(conf_sorted), bin_id, num_segments=n_bins)
    conf_sum = jax.ops.segment_sum(conf_sorted, bin_id, num_segments=n_bins)
    acc_sum = jax.ops.segment_sum(acc_sorted, bin_id, num_segments=n_bins)

    nonzero = counts > 0
    safe_counts = jnp.maximum(counts, 1.0)
    bin_conf = jnp.where(nonzero, conf_sum / safe_counts, 0.0)
    bin_acc = jnp.where(nonzero, acc_sum / safe_counts, 0.0)

    n = confidence.shape[0]
    ece_loss = jnp.sum((counts / n) * jnp.abs(bin_acc - bin_conf))
    return ece_loss

if __name__ == "__main__":
    import jax
    _d = setup_inputs()
    print(jax.jit(kernel)(*tuple(_d.values())))

</pallas_src>

<mosaic_0001>
#map = affine_map<(d0, d1) -> (0, 0)>
module attributes {stable_mosaic.version = 14 : i64} {
  func.func @_hist_body(%arg0: i32, %arg1: i32, %arg2: memref<32x31744xf32, #tpu.memory_space<hbm>>, %arg3: memref<32x65536xi32, #tpu.memory_space<hbm>>, %arg4: memref<31744xf32, #tpu.memory_space<vmem>>, %arg5: memref<65792xi32, #tpu.memory_space<vmem>>) attributes {dimension_semantics = [#tpu.dimension_semantics<core_parallel>, #tpu.dimension_semantics<subcore_parallel>], iteration_bounds = array<i64: 2, 16>, scalar_prefetch = 0 : i64, scratch_operands = 2 : i64, tpu.core_type = #tpu.core_type<sc_vector_subcore>, window_params = [{transform_indices = #map}, {transform_indices = #map}]} {
    %mul3A = arith.constant 2 : i32
    %mul3A_0 = arith.muli %arg1, %mul3A : i32
    %add3A = arith.addi %mul3A_0, %arg0 : i32
    %broadcast_in_dim3A = arith.constant 0 : i32
    %broadcast_in_dim3A_1 = vector.broadcast %broadcast_in_dim3A : i32 to vector<16xi32>
    %scan3A = arith.constant 0 : i32
    %scan3A_2 = arith.constant 128 : i32
    %scan3A_3 = arith.addi %scan3A, %scan3A_2 : i32
    %scan3A_4 = arith.constant 1 : i32
    scf.for %scan3A_13 = %scan3A to %scan3A_3 step %scan3A_4  : i32 {
      %mul3A_14 = arith.constant 512 : i32
      %mul3A_15 = arith.muli %scan3A_13, %mul3A_14 : i32
      %add3A_16 = arith.constant 0 : i32
      %add3A_17 = arith.addi %mul3A_15, %add3A_16 : i32
      %swap3A = arith.index_cast %add3A_17 : i32 to index
      %swap3A_18 = tpu.vector_load %arg5[%swap3A] {strides = array<i32>} : memref<65792xi32, #tpu.memory_space<vmem>>, vector<16xi32>,
      tpu.vector_store %arg5[%swap3A], %broadcast_in_dim3A_1 {strides = array<i32>} : memref<65792xi32, #tpu.memory_space<vmem>>, vector<16xi32>,
      %mul3A_19 = arith.constant 512 : i32
      %mul3A_20 = arith.muli %scan3A_13, %mul3A_19 : i32
      %add3A_21 = arith.constant 16 : i32
      %add3A_22 = arith.addi %mul3A_20, %add3A_21 : i32
      %swap3A_23 = arith.index_cast %add3A_22 : i32 to index
      %swap3A_24 = tpu.vector_load %arg5[%swap3A_23] {strides = array<i32>} : memref<65792xi32, #tpu.memory_space<vmem>>, vector<16xi32>,
      tpu.vector_store %arg5[%swap3A_23], %broadcast_in_dim3A_1 {strides = array<i32>} : memref<65792xi32, #tpu.memory_space<vmem>>, vector<16xi32>,
      %mul3A_25 = arith.constant 512 : i32
      %mul3A_26 = arith.muli %scan3A_13, %mul3A_25 : i32
      %add3A_27 = arith.constant 32 : i32
      %add3A_28 = arith.addi %mul3A_26, %add3A_27 : i32
      %swap3A_29 = arith.index_cast %add3A_28 : i32 to index
      %swap3A_30 = tpu.vector_load %arg5[%swap3A_29] {strides = array<i32>} : memref<65792xi32, #tpu.memory_space<vmem>>, vector<16xi32>,
      tpu.vector_store %arg5[%swap3A_29], %broadcast_in_dim3A_1 {strides = array<i32>} : memref<65792xi32, #tpu.memory_space<vmem>>, vector<16xi32>,
      %mul3A_31 = arith.constant 512 : i32
      %mul3A_32 = arith.muli %scan3A_13, %mul3A_31 : i32
      %add3A_33 = arith.constant 48 : i32
      %add3A_34 = arith.addi %mul3A_32, %add3A_33 : i32
      %swap3A_35 = arith.index_cast %add3A_34 : i32 to index
      %swap3A_36 = tpu.vector_load %arg5[%swap3A_35] {strides = array<i32>} : memref<65792xi32, #tpu.memory_space<vmem>>, vector<16xi32>,
      tpu.vector_store %arg5[%swap3A_35], %broadcast_in_dim3A_1 {strides = array<i32>} : memref<65792xi32, #tpu.memory_space<vmem>>, vector<16xi32>,
      %mul3A_37 = arith.constant 512 : i32
      %mul3A_38 = arith.muli %scan3A_13, %mul3A_37 : i32
      %add3A_39 = arith.constant 64 : i32
      %add3A_40 = arith.addi %mul3A_38, %add3A_39 : i32
      %swap3A_41 = arith.index_cast %add3A_40 : i32 to index
      %swap3A_42 = tpu.vector_load %arg5[%swap3A_41] {strides = array<i32>} : memref<65792xi32, #tpu.memory_space<vmem>>, vector<16xi32>,
      tpu.vector_store %arg5[%swap3A_41], %broadcast_in_dim3A_1 {strides = array<i32>} : memref<65792xi32, #tpu.memory_space<vmem>>, vector<16xi32>,
      %mul3A_43 = arith.constant 512 : i32
      %mul3A_44 = arith.muli %scan3A_13, %mul3A_43 : i32
      %add3A_45 = arith.constant 80 : i32
      %add3A_46 = arith.addi %mul3A_44, %add3A_45 : i32
      %swap3A_47 = arith.index_cast %add3A_46 : i32 to index
      %swap3A_48 = tpu.vector_load %arg5[%swap3A_47] {strides = array<i32>} : memref<65792xi32, #tpu.memory_space<vmem>>, vector<16xi32>,
      tpu.vector_store %arg5[%swap3A_47], %broadcast_in_dim3A_1 {strides = array<i32>} : memref<65792xi32, #tpu.memory_space<vmem>>, vector<16xi32>,
      %mul3A_49 = arith.constant 512 : i32
      %mul3A_50 = arith.muli %scan3A_13, %mul3A_49 : i32
      %add3A_51 = arith.constant 96 : i32
      %add3A_52 = arith.addi %mul3A_50, %add3A_51 : i32
      %swap3A_53 = arith.index_cast %add3A_52 : i32 to index
      %swap3A_54 = tpu.vector_load %arg5[%swap3A_53] {strides = array<i32>} : memref<65792xi32, #tpu.memory_space<vmem>>, vector<16xi32>,
      tpu.vector_store %arg5[%swap3A_53], %broadcast_in_dim3A_1 {strides = array<i32>} : memref<65792xi32, #tpu.memory_space<vmem>>, vector<16xi32>,
      %mul3A_55 = arith.constant 512 : i32
      %mul3A_56 = arith.muli %scan3A_13, %mul3A_55 : i32
      %add3A_57 = arith.constant 112 : i32
      %add3A_58 = arith.addi %mul3A_56, %add3A_57 : i32
      %swap3A_59 = arith.index_cast %add3A_58 : i32 to index
      %swap3A_60 = tpu.vector_load %arg5[%swap3A_59] {strides = array<i32>} : memref<65792xi32, #tpu.memory_space<vmem>>, vector<16xi32>,
      tpu.vector_store %arg5[%swap3A_59], %broadcast_in_dim3A_1 {strides = array<i32>} : memref<65792xi32, #tpu.memory_space<vmem>>, vector<16xi32>,
      %mul3A_61 = arith.constant 512 : i32
      %mul3A_62 = arith.muli %scan3A_13, %mul3A_61 : i32
      %add3A_63 = arith.constant 128 : i32
      %add3A_64 = arith.addi %mul3A_62, %add3A_63 : i32
      %swap3A_65 = arith.index_cast %add3A_64 : i32 to index
      %swap3A_66 = tpu.vector_load %arg5[%swap3A_65] {strides = array<i32>} : memref<65792xi32, #tpu.memory_space<vmem>>, vector<16xi32>,
      tpu.vector_store %arg5[%swap3A_65], %broadcast_in_dim3A_1 {strides = array<i32>} : memref<65792xi32, #tpu.memory_space<vmem>>, vector<16xi32>,
      %mul3A_67 = arith.constant 512 : i32
      %mul3A_68 = arith.muli %scan3A_13, %mul3A_67 : i32
      %add3A_69 = arith.constant 144 : i32
      %add3A_70 = arith.addi %mul3A_68, %add3A_69 : i32
      %swap3A_71 = arith.index_cast %add3A_70 : i32 to index
      %swap3A_72 = tpu.vector_load %arg5[%swap3A_71] {strides = array<i32>} : memref<65792xi32, #tpu.memory_space<vmem>>, vector<16xi32>,
      tpu.vector_store %arg5[%swap3A_71], %broadcast_in_dim3A_1 {strides = array<i32>} : memref<65792xi32, #tpu.memory_space<vmem>>, vector<16xi32>,
      %mul3A_73 = arith.constant 512 : i32
      %mul3A_74 = arith.muli %scan3A_13, %mul3A_73 : i32
      %add3A_75 = arith.constant 160 : i32
      %add3A_76 = arith.addi %mul3A_74, %add3A_75 : i32
      %swap3A_77 = arith.index_cast %add3A_76 : i32 to index
      %swap3A_78 = tpu.vector_load %arg5[%swap3A_77] {strides = array<i32>} : memref<65792xi32, #tpu.memory_space<vmem>>, vector<16xi32>,
      tpu.vector_store %arg5[%swap3A_77], %broadcast_in_dim3A_1 {strides = array<i32>} : memref<65792xi32, #tpu.memory_space<vmem>>, vector<16xi32>,
      %mul3A_79 = arith.constant 512 : i32
      %mul3A_80 = arith.muli %scan3A_13, %mul3A_79 : i32
      %add3A_81 = arith.constant 176 : i32
      %add3A_82 = arith.addi %mul3A_80, %add3A_81 : i32
      %swap3A_83 = arith.index_cast %add3A_82 : i32 to index
      %swap3A_84 = tpu.vector_load %arg5[%swap3A_83] {strides = array<i32>} : memref<65792xi32, #tpu.memory_space<vmem>>, vector<16xi32>,
      tpu.vector_store %arg5[%swap3A_83], %broadcast_in_dim3A_1 {strides = array<i32>} : memref<65792xi32, #tpu.memory_space<vmem>>, vector<16xi32>,
      %mul3A_85 = arith.constant 512 : i32
      %mul3A_86 = arith.muli %scan3A_13, %mul3A_85 : i32
      %add3A_87 = arith.constant 192 : i32
      %add3A_88 = arith.addi %mul3A_86, %add3A_87 : i32
      %swap3A_89 = arith.index_cast %add3A_88 : i32 to index
      %swap3A_90 = tpu.vector_load %arg5[%swap3A_89] {strides = array<i32>} : memref<65792xi32, #tpu.memory_space<vmem>>, vector<16xi32>,
      tpu.vector_store %arg5[%swap3A_89], %broadcast_in_dim3A_1 {strides = array<i32>} : memref<65792xi32, #tpu.memory_space<vmem>>, vector<16xi32>,
      %mul3A_91 = arith.constant 512 : i32
      %mul3A_92 = arith.muli %scan3A_13, %mul3A_91 : i32
      %add3A_93 = arith.constant 208 : i32
      %add3A_94 = arith.addi %mul3A_92, %add3A_93 : i32
      %swap3A_95 = arith.index_cast %add3A_94 : i32 to index
      %swap3A_96 = tpu.vector_load %arg5[%swap3A_95] {strides = array<i32>} : memref<65792xi32, #tpu.memory_space<vmem>>, vector<16xi32>,
      tpu.vector_store %arg5[%swap3A_95], %broadcast_in_dim3A_1 {strides = array<i32>} : memref<65792xi32, #tpu.memory_space<vmem>>, vector<16xi32>,
      %mul3A_97 = arith.constant 512 : i32
      %mul3A_98 = arith.muli %scan3A_13, %mul3A_97 : i32
      %add3A_99 = arith.constant 224 : i32
      %add3A_100 = arith.addi %mul3A_98, %add3A_99 : i32
      %swap3A_101 = arith.index_cast %add3A_100 : i32 to index
      %swap3A_102 = tpu.vector_load %arg5[%swap3A_101] {strides = array<i32>} : memref<65792xi32, #tpu.memory_space<vmem>>, vector<16xi32>,
      tpu.vector_store %arg5[%swap3A_101], %broadcast_in_dim3A_1 {strides = array<i32>} : memref<65792xi32, #tpu.memory_space<vmem>>, vector<16xi32>,
      %mul3A_103 = arith.constant 512 : i32
      %mul3A_104 = arith.muli %scan3A_13, %mul3A_103 : i32
      %add3A_105 = arith.constant 240 : i32
      %add3A_106 = arith.addi %mul3A_104, %add3A_105 : i32
      %swap3A_107 = arith.index_cast %add3A_106 : i32 to index
      %swap3A_108 = tpu.vector_load %arg5[%swap3A_107] {strides = array<i32>} : memref<65792xi32, #tpu.memory_space<vmem>>, vector<16xi32>,
      tpu.vector_store %arg5[%swap3A_107], %broadcast_in_dim3A_1 {strides = array<i32>} : memref<65792xi32, #tpu.memory_space<vmem>>, vector<16xi32>,
      %mul3A_109 = arith.constant 512 : i32
      %mul3A_110 = arith.muli %scan3A_13, %mul3A_109 : i32
      %add3A_111 = arith.constant 256 : i32
      %add3A_112 = arith.addi %mul3A_110, %add3A_111 : i32
      %swap3A_113 = arith.index_cast %add3A_112 : i32 to index
      %swap3A_114 = tpu.vector_load %arg5[%swap3A_113] {strides = array<i32>} : memref<65792xi32, #tpu.memory_space<vmem>>, vector<16xi32>,
      tpu.vector_store %arg5[%swap3A_113], %broadcast_in_dim3A_1 {strides = array<i32>} : memref<65792xi32, #tpu.memory_space<vmem>>, vector<16xi32>,
      %mul3A_115 = arith.constant 512 : i32
      %mul3A_116 = arith.muli %scan3A_13, %mul3A_115 : i32
      %add3A_117 = arith.constant 272 : i32
      %add3A_118 = arith.addi %mul3A_116, %add3A_117 : i32
      %swap3A_119 = arith.index_cast %add3A_118 : i32 to index
      %swap3A_120 = tpu.vector_load %arg5[%swap3A_119] {strides = array<i32>} : memref<65792xi32, #tpu.memory_space<vmem>>, vector<16xi32>,
      tpu.vector_store %arg5[%swap3A_119], %broadcast_in_dim3A_1 {strides = array<i32>} : memref<65792xi32, #tpu.memory_space<vmem>>, vector<16xi32>,
      %mul3A_121 = arith.constant 512 : i32
      %mul3A_122 = arith.muli %scan3A_13, %mul3A_121 : i32
      %add3A_123 = arith.constant 288 : i32
      %add3A_124 = arith.addi %mul3A_122, %add3A_123 : i32
      %swap3A_125 = arith.index_cast %add3A_124 : i32 to index
      %swap3A_126 = tpu.vector_load %arg5[%swap3A_125] {strides = array<i32>} : memref<65792xi32, #tpu.memory_space<vmem>>, vector<16xi32>,
      tpu.vector_store %arg5[%swap3A_125], %broadcast_in_dim3A_1 {strides = array<i32>} : memref<65792xi32, #tpu.memory_space<vmem>>, vector<16xi32>,
      %mul3A_127 = arith.constant 512 : i32
      %mul3A_128 = arith.muli %scan3A_13, %mul3A_127 : i32
      %add3A_129 = arith.constant 304 : i32
      %add3A_130 = arith.addi %mul3A_128, %add3A_129 : i32
      %swap3A_131 = arith.index_cast %add3A_130 : i32 to index
      %swap3A_132 = tpu.vector_load %arg5[%swap3A_131] {strides = array<i32>} : memref<65792xi32, #tpu.memory_space<vmem>>, vector<16xi32>,
      tpu.vector_store %arg5[%swap3A_131], %broadcast_in_dim3A_1 {strides = array<i32>} : memref<65792xi32, #tpu.memory_space<vmem>>, vector<16xi32>,
      %mul3A_133 = arith.constant 512 : i32
      %mul3A_134 = arith.muli %scan3A_13, %mul3A_133 : i32
      %add3A_135 = arith.constant 320 : i32
      %add3A_136 = arith.addi %mul3A_134, %add3A_135 : i32
      %swap3A_137 = arith.index_cast %add3A_136 : i32 to index
      %swap3A_138 = tpu.vector_load %arg5[%swap3A_137] {strides = array<i32>} : memref<65792xi32, #tpu.memory_space<vmem>>, vector<16xi32>,
      tpu.vector_store %arg5[%swap3A_137], %broadcast_in_dim3A_1 {strides = array<i32>} : memref<65792xi32, #tpu.memory_space<vmem>>, vector<16xi32>,
      %mul3A_139 = arith.constant 512 : i32
      %mul3A_140 = arith.muli %scan3A_13, %mul3A_139 : i32
      %add3A_141 = arith.constant 336 : i32
      %add3A_142 = arith.addi %mul3A_140, %add3A_141 : i32
      %swap3A_143 = arith.index_cast %add3A_142 : i32 to index
      %swap3A_144 = tpu.vector_load %arg5[%swap3A_143] {strides = array<i32>} : memref<65792xi32, #tpu.memory_space<vmem>>, vector<16xi32>,
      tpu.vector_store %arg5[%swap3A_143], %broadcast_in_dim3A_1 {strides = array<i32>} : memref<65792xi32, #tpu.memory_space<vmem>>, vector<16xi32>,
      %mul3A_145 = arith.constant 512 : i32
      %mul3A_146 = arith.muli %scan3A_13, %mul3A_145 : i32
      %add3A_147 = arith.constant 352 : i32
      %add3A_148 = arith.addi %mul3A_146, %add3A_147 : i32
      %swap3A_149 = arith.index_cast %add3A_148 : i32 to index
      %swap3A_150 = tpu.vector_load %arg5[%swap3A_149] {strides = array<i32>} : memref<65792xi32, #tpu.memory_space<vmem>>, vector<16xi32>,
      tpu.vector_store %arg5[%swap3A_149], %broadcast_in_dim3A_1 {strides = array<i32>} : memref<65792xi32, #tpu.memory_space<vmem>>, vector<16xi32>,
      %mul3A_151 = arith.constant 512 : i32
      %mul3A_152 = arith.muli %scan3A_13, %mul3A_151 : i32
      %add3A_153 = arith.constant 368 : i32
      %add3A_154 = arith.addi %mul3A_152, %add3A_153 : i32
      %swap3A_155 = arith.index_cast %add3A_154 : i32 to index
      %swap3A_156 = tpu.vector_load %arg5[%swap3A_155] {strides = array<i32>} : memref<65792xi32, #tpu.memory_space<vmem>>, vector<16xi32>,
      tpu.vector_store %arg5[%swap3A_155], %broadcast_in_dim3A_1 {strides = array<i32>} : memref<65792xi32, #tpu.memory_space<vmem>>, vector<16xi32>,
      %mul3A_157 = arith.constant 512 : i32
      %mul3A_158 = arith.muli %scan3A_13, %mul3A_157 : i32
      %add3A_159 = arith.constant 384 : i32
      %add3A_160 = arith.addi %mul3A_158, %add3A_159 : i32
      %swap3A_161 = arith.index_cast %add3A_160 : i32 to index
      %swap3A_162 = tpu.vector_load %arg5[%swap3A_161] {strides = array<i32>} : memref<65792xi32, #tpu.memory_space<vmem>>, vector<16xi32>,
      tpu.vector_store %arg5[%swap3A_161], %broadcast_in_dim3A_1 {strides = array<i32>} : memref<65792xi32, #tpu.memory_space<vmem>>, vector<16xi32>,
      %mul3A_163 = arith.constant 512 : i32
      %mul3A_164 = arith.muli %scan3A_13, %mul3A_163 : i32
      %add3A_165 = arith.constant 400 : i32
      %add3A_166 = arith.addi %mul3A_164, %add3A_165 : i32
      %swap3A_167 = arith.index_cast %add3A_166 : i32 to index
      %swap3A_168 = tpu.vector_load %arg5[%swap3A_167] {strides = array<i32>} : memref<65792xi32, #tpu.memory_space<vmem>>, vector<16xi32>,
      tpu.vector_store %arg5[%swap3A_167], %broadcast_in_dim3A_1 {strides = array<i32>} : memref<65792xi32, #tpu.memory_space<vmem>>, vector<16xi32>,
      %mul3A_169 = arith.constant 512 : i32
      %mul3A_170 = arith.muli %scan3A_13, %mul3A_169 : i32
      %add3A_171 = arith.constant 416 : i32
      %add3A_172 = arith.addi %mul3A_170, %add3A_171 : i32
      %swap3A_173 = arith.index_cast %add3A_172 : i32 to index
      %swap3A_174 = tpu.vector_load %arg5[%swap3A_173] {strides = array<i32>} : memref<65792xi32, #tpu.memory_space<vmem>>, vector<16xi32>,
      tpu.vector_store %arg5[%swap3A_173], %broadcast_in_dim3A_1 {strides = array<i32>} : memref<65792xi32, #tpu.memory_space<vmem>>, vector<16xi32>,
      %mul3A_175 = arith.constant 512 : i32
      %mul3A_176 = arith.muli %scan3A_13, %mul3A_175 : i32
      %add3A_177 = arith.constant 432 : i32
      %add3A_178 = arith.addi %mul3A_176, %add3A_177 : i32
      %swap3A_179 = arith.index_cast %add3A_178 : i32 to index
      %swap3A_180 = tpu.vector_load %arg5[%swap3A_179] {strides = array<i32>} : memref<65792xi32, #tpu.memory_space<vmem>>, vector<16xi32>,
      tpu.vector_store %arg5[%swap3A_179], %broadcast_in_dim3A_1 {strides = array<i32>} : memref<65792xi32, #tpu.memory_space<vmem>>, vector<16xi32>,
      %mul3A_181 = arith.constant 512 : i32
      %mul3A_182 = arith.muli %scan3A_13, %mul3A_181 : i32
      %add3A_183 = arith.constant 448 : i32
      %add3A_184 = arith.addi %mul3A_182, %add3A_183 : i32
      %swap3A_185 = arith.index_cast %add3A_184 : i32 to index
      %swap3A_186 = tpu.vector_load %arg5[%swap3A_185] {strides = array<i32>} : memref<65792xi32, #tpu.memory_space<vmem>>, vector<16xi32>,
      tpu.vector_store %arg5[%swap3A_185], %broadcast_in_dim3A_1 {strides = array<i32>} : memref<65792xi32, #tpu.memory_space<vmem>>, vector<16xi32>,
      %mul3A_187 = arith.constant 512 : i32
      %mul3A_188 = arith.muli %scan3A_13, %mul3A_187 : i32
      %add3A_189 = arith.constant 464 : i32
      %add3A_190 = arith.addi %mul3A_188, %add3A_189 : i32
      %swap3A_191 = arith.index_cast %add3A_190 : i32 to index
      %swap3A_192 = tpu.vector_load %arg5[%swap3A_191] {strides = array<i32>} : memref<65792xi32, #tpu.memory_space<vmem>>, vector<16xi32>,
      tpu.vector_store %arg5[%swap3A_191], %broadcast_in_dim3A_1 {strides = array<i32>} : memref<65792xi32, #tpu.memory_space<vmem>>, vector<16xi32>,
      %mul3A_193 = arith.constant 512 : i32
      %mul3A_194 = arith.muli %scan3A_13, %mul3A_193 : i32
      %add3A_195 = arith.constant 480 : i32
      %add3A_196 = arith.addi %mul3A_194, %add3A_195 : i32
      %swap3A_197 = arith.index_cast %add3A_196 : i32 to index
      %swap3A_198 = tpu.vector_load %arg5[%swap3A_197] {strides = array<i32>} : memref<65792xi32, #tpu.memory_space<vmem>>, vector<16xi32>,
      tpu.vector_store %arg5[%swap3A_197], %broadcast_in_dim3A_1 {strides = array<i32>} : memref<65792xi32, #tpu.memory_space<vmem>>, vector<16xi32>,
      %mul3A_199 = arith.constant 512 : i32
      %mul3A_200 = arith.muli %scan3A_13, %mul3A_199 : i32
      %add3A_201 = arith.constant 496 : i32
      %add3A_202 = arith.addi %mul3A_200, %add3A_201 : i32
      %swap3A_203 = arith.index_cast %add3A_202 : i32 to index
      %swap3A_204 = tpu.vector_load %arg5[%swap3A_203] {strides = array<i32>} : memref<65792xi32, #tpu.memory_space<vmem>>, vector<16xi32>,
      tpu.vector_store %arg5[%swap3A_203], %broadcast_in_dim3A_1 {strides = array<i32>} : memref<65792xi32, #tpu.memory_space<vmem>>, vector<16xi32>,
    }
    %scan3A_5 = arith.constant 128 : i32
    "tpu.region"() ({
      %run_scoped3A = tpu.sem_alloc : memref<!tpu.dma_semaphore, #tpu.memory_space<semaphore_mem>>
      %dma_start3A = arith.constant 0 : i32
      %dma_start3A_13 = tpu.memref_slice %arg2[%add3A, %dma_start3A] : memref<32x31744xf32, #tpu.memory_space<hbm>> -> memref<1x31744xf32, #tpu.memory_space<hbm>>
      %dma_start3A_14 = tpu.memref_squeeze %dma_start3A_13 : memref<1x31744xf32, #tpu.memory_space<hbm>> -> memref<31744xf32, #tpu.memory_space<hbm>>
      %dma_start3A_15 = arith.constant 0 : i32
      %dma_start3A_16 = tpu.memref_slice %arg2[%add3A, %dma_start3A_15] : memref<32x31744xf32, #tpu.memory_space<hbm>> -> memref<1x31744xf32, #tpu.memory_space<hbm>>
      %dma_start3A_17 = tpu.memref_squeeze %dma_start3A_16 : memref<1x31744xf32, #tpu.memory_space<hbm>> -> memref<31744xf32, #tpu.memory_space<hbm>>
      tpu.enqueue_dma source(%dma_start3A_17 : memref<31744xf32, #tpu.memory_space<hbm>>) target(%arg4 : memref<31744xf32, #tpu.memory_space<vmem>>) target_semaphore(%run_scoped3A : memref<!tpu.dma_semaphore, #tpu.memory_space<semaphore_mem>>)
      %dma_wait3A = arith.constant 0 : i32
      %dma_wait3A_18 = tpu.memref_slice %arg2[%add3A, %dma_wait3A] : memref<32x31744xf32, #tpu.memory_space<hbm>> -> memref<1x31744xf32, #tpu.memory_space<hbm>>
      %dma_wait3A_19 = tpu.memref_squeeze %dma_wait3A_18 : memref<1x31744xf32, #tpu.memory_space<hbm>> -> memref<31744xf32, #tpu.memory_space<hbm>>
      %dma_wait3A_20 = arith.constant 0 : i32
      %dma_wait3A_21 = tpu.memref_slice %arg2[%add3A, %dma_wait3A_20] : memref<32x31744xf32, #tpu.memory_space<hbm>> -> memref<1x31744xf32, #tpu.memory_space<hbm>>
      %dma_wait3A_22 = tpu.memref_squeeze %dma_wait3A_21 : memref<1x31744xf32, #tpu.memory_space<hbm>> -> memref<31744xf32, #tpu.memory_space<hbm>>
      tpu.wait_dma2 semaphore(%run_scoped3A : memref<!tpu.dma_semaphore, #tpu.memory_space<semaphore_mem>>) src(%dma_wait3A_22 : memref<31744xf32, #tpu.memory_space<hbm>>) dst(%arg4 : memref<31744xf32, #tpu.memory_space<vmem>>)
      tpu.yield
    }) : () -> ()
    %broadcast_in_dim3A_6 = arith.constant 1 : i32
    %broadcast_in_dim3A_7 = vector.broadcast %broadcast_in_dim3A_6 : i32 to vector<16xi32>
    %scan3A_8 = arith.constant 0 : i32
    %scan3A_9 = arith.constant 62 : i32
    %scan3A_10 = arith.addi %scan3A_8, %scan3A_9 : i32
    %scan3A_11 = arith.constant 1 : i32
    scf.for %scan3A_13 = %scan3A_8 to %scan3A_10 step %scan3A_11  : i32 {
      %mul3A_14 = arith.constant 512 : i32
      %mul3A_15 = arith.muli %scan3A_13, %mul3A_14 : i32
      %add3A_16 = arith.constant 0 : i32
      %add3A_17 = arith.addi %mul3A_15, %add3A_16 : i32
      %get3A = arith.index_cast %add3A_17 : i32 to index
      %get3A_18 = tpu.vector_load %arg4[%get3A] {strides = array<i32>} : memref<31744xf32, #tpu.memory_space<vmem>>, vector<16xf32>,
      %mul3A_19 = arith.constant 6.553600e+04 : f32
      %mul3A_20 = vector.broadcast %mul3A_19 : f32 to vector<16xf32>
      %mul3A_21 = arith.mulf %get3A_18, %mul3A_20 : vector<16xf32>
      %convert_element_type3A = arith.fptosi %mul3A_21 : vector<16xf32> to vector<16xi32>
      tpu.vector_store_idx %arg5[%convert_element_type3A], %broadcast_in_dim3A_7 {add = true} : memref<65792xi32, #tpu.memory_space<vmem>>[vector<16xi32>], vector<16xi32>,
      %mul3A_22 = arith.constant 512 : i32
      %mul3A_23 = arith.muli %scan3A_13, %mul3A_22 : i32
      %add3A_24 = arith.constant 16 : i32
      %add3A_25 = arith.addi %mul3A_23, %add3A_24 : i32
      %get3A_26 = arith.index_cast %add3A_25 : i32 to index
      %get3A_27 = tpu.vector_load %arg4[%get3A_26] {strides = array<i32>} : memref<31744xf32, #tpu.memory_space<vmem>>, vector<16xf32>,
      %mul3A_28 = arith.constant 6.553600e+04 : f32
      %mul3A_29 = vector.broadcast %mul3A_28 : f32 to vector<16xf32>
      %mul3A_30 = arith.mulf %get3A_27, %mul3A_29 : vector<16xf32>
      %convert_element_type3A_31 = arith.fptosi %mul3A_30 : vector<16xf32> to vector<16xi32>
      tpu.vector_store_idx %arg5[%convert_element_type3A_31], %broadcast_in_dim3A_7 {add = true} : memref<65792xi32, #tpu.memory_space<vmem>>[vector<16xi32>], vector<16xi32>,
      %mul3A_32 = arith.constant 512 : i32
      %mul3A_33 = arith.muli %scan3A_13, %mul3A_32 : i32
      %add3A_34 = arith.constant 32 : i32
      %add3A_35 = arith.addi %mul3A_33, %add3A_34 : i32
      %get3A_36 = arith.index_cast %add3A_35 : i32 to index
      %get3A_37 = tpu.vector_load %arg4[%get3A_36] {strides = array<i32>} : memref<31744xf32, #tpu.memory_space<vmem>>, vector<16xf32>,
      %mul3A_38 = arith.constant 6.553600e+04 : f32
      %mul3A_39 = vector.broadcast %mul3A_38 : f32 to vector<16xf32>
      %mul3A_40 = arith.mulf %get3A_37, %mul3A_39 : vector<16xf32>
      %convert_element_type3A_41 = arith.fptosi %mul3A_40 : vector<16xf32> to vector<16xi32>
      tpu.vector_store_idx %arg5[%convert_element_type3A_41], %broadcast_in_dim3A_7 {add = true} : memref<65792xi32, #tpu.memory_space<vmem>>[vector<16xi32>], vector<16xi32>,
      %mul3A_42 = arith.constant 512 : i32
      %mul3A_43 = arith.muli %scan3A_13, %mul3A_42 : i32
      %add3A_44 = arith.constant 48 : i32
      %add3A_45 = arith.addi %mul3A_43, %add3A_44 : i32
      %get3A_46 = arith.index_cast %add3A_45 : i32 to index
      %get3A_47 = tpu.vector_load %arg4[%get3A_46] {strides = array<i32>} : memref<31744xf32, #tpu.memory_space<vmem>>, vector<16xf32>,
      %mul3A_48 = arith.constant 6.553600e+04 : f32
      %mul3A_49 = vector.broadcast %mul3A_48 : f32 to vector<16xf32>
      %mul3A_50 = arith.mulf %get3A_47, %mul3A_49 : vector<16xf32>
      %convert_element_type3A_51 = arith.fptosi %mul3A_50 : vector<16xf32> to vector<16xi32>
      tpu.vector_store_idx %arg5[%convert_element_type3A_51], %broadcast_in_dim3A_7 {add = true} : memref<65792xi32, #tpu.memory_space<vmem>>[vector<16xi32>], vector<16xi32>,
      %mul3A_52 = arith.constant 512 : i32
      %mul3A_53 = arith.muli %scan3A_13, %mul3A_52 : i32
      %add3A_54 = arith.constant 64 : i32
      %add3A_55 = arith.addi %mul3A_53, %add3A_54 : i32
      %get3A_56 = arith.index_cast %add3A_55 : i32 to index
      %get3A_57 = tpu.vector_load %arg4[%get3A_56] {strides = array<i32>} : memref<31744xf32, #tpu.memory_space<vmem>>, vector<16xf32>,
      %mul3A_58 = arith.constant 6.553600e+04 : f32
      %mul3A_59 = vector.broadcast %mul3A_58 : f32 to vector<16xf32>
      %mul3A_60 = arith.mulf %get3A_57, %mul3A_59 : vector<16xf32>
      %convert_element_type3A_61 = arith.fptosi %mul3A_60 : vector<16xf32> to vector<16xi32>
      tpu.vector_store_idx %arg5[%convert_element_type3A_61], %broadcast_in_dim3A_7 {add = true} : memref<65792xi32, #tpu.memory_space<vmem>>[vector<16xi32>], vector<16xi32>,
      %mul3A_62 = arith.constant 512 : i32
      %mul3A_63 = arith.muli %scan3A_13, %mul3A_62 : i32
      %add3A_64 = arith.constant 80 : i32
      %add3A_65 = arith.addi %mul3A_63, %add3A_64 : i32
      %get3A_66 = arith.index_cast %add3A_65 : i32 to index
      %get3A_67 = tpu.vector_load %arg4[%get3A_66] {strides = array<i32>} : memref<31744xf32, #tpu.memory_space<vmem>>, vector<16xf32>,
      %mul3A_68 = arith.constant 6.553600e+04 : f32
      %mul3A_69 = vector.broadcast %mul3A_68 : f32 to vector<16xf32>
      %mul3A_70 = arith.mulf %get3A_67, %mul3A_69 : vector<16xf32>
      %convert_element_type3A_71 = arith.fptosi %mul3A_70 : vector<16xf32> to vector<16xi32>
      tpu.vector_store_idx %arg5[%convert_element_type3A_71], %broadcast_in_dim3A_7 {add = true} : memref<65792xi32, #tpu.memory_space<vmem>>[vector<16xi32>], vector<16xi32>,
      %mul3A_72 = arith.constant 512 : i32
      %mul3A_73 = arith.muli %scan3A_13, %mul3A_72 : i32
      %add3A_74 = arith.constant 96 : i32
      %add3A_75 = arith.addi %mul3A_73, %add3A_74 : i32
      %get3A_76 = arith.index_cast %add3A_75 : i32 to index
      %get3A_77 = tpu.vector_load %arg4[%get3A_76] {strides = array<i32>} : memref<31744xf32, #tpu.memory_space<vmem>>, vector<16xf32>,
      %mul3A_78 = arith.constant 6.553600e+04 : f32
      %mul3A_79 = vector.broadcast %mul3A_78 : f32 to vector<16xf32>
      %mul3A_80 = arith.mulf %get3A_77, %mul3A_79 : vector<16xf32>
      %convert_element_type3A_81 = arith.fptosi %mul3A_80 : vector<16xf32> to vector<16xi32>
      tpu.vector_store_idx %arg5[%convert_element_type3A_81], %broadcast_in_dim3A_7 {add = true} : memref<65792xi32, #tpu.memory_space<vmem>>[vector<16xi32>], vector<16xi32>,
      %mul3A_82 = arith.constant 512 : i32
      %mul3A_83 = arith.muli %scan3A_13, %mul3A_82 : i32
      %add3A_84 = arith.constant 112 : i32
      %add3A_85 = arith.addi %mul3A_83, %add3A_84 : i32
      %get3A_86 = arith.index_cast %add3A_85 : i32 to index
      %get3A_87 = tpu.vector_load %arg4[%get3A_86] {strides = array<i32>} : memref<31744xf32, #tpu.memory_space<vmem>>, vector<16xf32>,
      %mul3A_88 = arith.constant 6.553600e+04 : f32
      %mul3A_89 = vector.broadcast %mul3A_88 : f32 to vector<16xf32>
      %mul3A_90 = arith.mulf %get3A_87, %mul3A_89 : vector<16xf32>
      %convert_element_type3A_91 = arith.fptosi %mul3A_90 : vector<16xf32> to vector<16xi32>
      tpu.vector_store_idx %arg5[%convert_element_type3A_91], %broadcast_in_dim3A_7 {add = true} : memref<65792xi32, #tpu.memory_space<vmem>>[vector<16xi32>], vector<16xi32>,
      %mul3A_92 = arith.constant 512 : i32
      %mul3A_93 = arith.muli %scan3A_13, %mul3A_92 : i32
      %add3A_94 = arith.constant 128 : i32
      %add3A_95 = arith.addi %mul3A_93, %add3A_94 : i32
      %get3A_96 = arith.index_cast %add3A_95 : i32 to index
      %get3A_97 = tpu.vector_load %arg4[%get3A_96] {strides = array<i32>} : memref<31744xf32, #tpu.memory_space<vmem>>, vector<16xf32>,
      %mul3A_98 = arith.constant 6.553600e+04 : f32
      %mul3A_99 = vector.broadcast %mul3A_98 : f32 to vector<16xf32>
      %mul3A_100 = arith.mulf %get3A_97, %mul3A_99 : vector<16xf32>
      %convert_element_type3A_101 = arith.fptosi %mul3A_100 : vector<16xf32> to vector<16xi32>
      tpu.vector_store_idx %arg5[%convert_element_type3A_101], %broadcast_in_dim3A_7 {add = true} : memref<65792xi32, #tpu.memory_space<vmem>>[vector<16xi32>], vector<16xi32>,
      %mul3A_102 = arith.constant 512 : i32
      %mul3A_103 = arith.muli %scan3A_13, %mul3A_102 : i32
      %add3A_104 = arith.constant 144 : i32
      %add3A_105 = arith.addi %mul3A_103, %add3A_104 : i32
      %get3A_106 = arith.index_cast %add3A_105 : i32 to index
      %get3A_107 = tpu.vector_load %arg4[%get3A_106] {strides = array<i32>} : memref<31744xf32, #tpu.memory_space<vmem>>, vector<16xf32>,
      %mul3A_108 = arith.constant 6.553600e+04 : f32
      %mul3A_109 = vector.broadcast %mul3A_108 : f32 to vector<16xf32>
      %mul3A_110 = arith.mulf %get3A_107, %mul3A_109 : vector<16xf32>
      %convert_element_type3A_111 = arith.fptosi %mul3A_110 : vector<16xf32> to vector<16xi32>
      tpu.vector_store_idx %arg5[%convert_element_type3A_111], %broadcast_in_dim3A_7 {add = true} : memref<65792xi32, #tpu.memory_space<vmem>>[vector<16xi32>], vector<16xi32>,
      %mul3A_112 = arith.constant 512 : i32
      %mul3A_113 = arith.muli %scan3A_13, %mul3A_112 : i32
      %add3A_114 = arith.constant 160 : i32
      %add3A_115 = arith.addi %mul3A_113, %add3A_114 : i32
      %get3A_116 = arith.index_cast %add3A_115 : i32 to index
      %get3A_117 = tpu.vector_load %arg4[%get3A_116] {strides = array<i32>} : memref<31744xf32, #tpu.memory_space<vmem>>, vector<16xf32>,
      %mul3A_118 = arith.constant 6.553600e+04 : f32
      %mul3A_119 = vector.broadcast %mul3A_118 : f32 to vector<16xf32>
      %mul3A_120 = arith.mulf %get3A_117, %mul3A_119 : vector<16xf32>
      %convert_element_type3A_121 = arith.fptosi %mul3A_120 : vector<16xf32> to vector<16xi32>
      tpu.vector_store_idx %arg5[%convert_element_type3A_121], %broadcast_in_dim3A_7 {add = true} : memref<65792xi32, #tpu.memory_space<vmem>>[vector<16xi32>], vector<16xi32>,
      %mul3A_122 = arith.constant 512 : i32
      %mul3A_123 = arith.muli %scan3A_13, %mul3A_122 : i32
      %add3A_124 = arith.constant 176 : i32
      %add3A_125 = arith.addi %mul3A_123, %add3A_124 : i32
      %get3A_126 = arith.index_cast %add3A_125 : i32 to index
      %get3A_127 = tpu.vector_load %arg4[%get3A_126] {strides = array<i32>} : memref<31744xf32, #tpu.memory_space<vmem>>, vector<16xf32>,
      %mul3A_128 = arith.constant 6.553600e+04 : f32
      %mul3A_129 = vector.broadcast %mul3A_128 : f32 to vector<16xf32>
      %mul3A_130 = arith.mulf %get3A_127, %mul3A_129 : vector<16xf32>
      %convert_element_type3A_131 = arith.fptosi %mul3A_130 : vector<16xf32> to vector<16xi32>
      tpu.vector_store_idx %arg5[%convert_element_type3A_131], %broadcast_in_dim3A_7 {add = true} : memref<65792xi32, #tpu.memory_space<vmem>>[vector<16xi32>], vector<16xi32>,
      %mul3A_132 = arith.constant 512 : i32
      %mul3A_133 = arith.muli %scan3A_13, %mul3A_132 : i32
      %add3A_134 = arith.constant 192 : i32
      %add3A_135 = arith.addi %mul3A_133, %add3A_134 : i32
      %get3A_136 = arith.index_cast %add3A_135 : i32 to index
      %get3A_137 = tpu.vector_load %arg4[%get3A_136] {strides = array<i32>} : memref<31744xf32, #tpu.memory_space<vmem>>, vector<16xf32>,
      %mul3A_138 = arith.constant 6.553600e+04 : f32
      %mul3A_139 = vector.broadcast %mul3A_138 : f32 to vector<16xf32>
      %mul3A_140 = arith.mulf %get3A_137, %mul3A_139 : vector<16xf32>
      %convert_element_type3A_141 = arith.fptosi %mul3A_140 : vector<16xf32> to vector<16xi32>
      tpu.vector_store_idx %arg5[%convert_element_type3A_141], %broadcast_in_dim3A_7 {add = true} : memref<65792xi32, #tpu.memory_space<vmem>>[vector<16xi32>], vector<16xi32>,
      %mul3A_142 = arith.constant 512 : i32
      %mul3A_143 = arith.muli %scan3A_13, %mul3A_142 : i32
      %add3A_144 = arith.constant 208 : i32
      %add3A_145 = arith.addi %mul3A_143, %add3A_144 : i32
      %get3A_146 = arith.index_cast %add3A_145 : i32 to index
      %get3A_147 = tpu.vector_load %arg4[%get3A_146] {strides = array<i32>} : memref<31744xf32, #tpu.memory_space<vmem>>, vector<16xf32>,
      %mul3A_148 = arith.constant 6.553600e+04 : f32
      %mul3A_149 = vector.broadcast %mul3A_148 : f32 to vector<16xf32>
      %mul3A_150 = arith.mulf %get3A_147, %mul3A_149 : vector<16xf32>
      %convert_element_type3A_151 = arith.fptosi %mul3A_150 : vector<16xf32> to vector<16xi32>
      tpu.vector_store_idx %arg5[%convert_element_type3A_151], %broadcast_in_dim3A_7 {add = true} : memref<65792xi32, #tpu.memory_space<vmem>>[vector<16xi32>], vector<16xi32>,
      %mul3A_152 = arith.constant 512 : i32
      %mul3A_153 = arith.muli %scan3A_13, %mul3A_152 : i32
      %add3A_154 = arith.constant 224 : i32
      %add3A_155 = arith.addi %mul3A_153, %add3A_154 : i32
      %get3A_156 = arith.index_cast %add3A_155 : i32 to index
      %get3A_157 = tpu.vector_load %arg4[%get3A_156] {strides = array<i32>} : memref<31744xf32, #tpu.memory_space<vmem>>, vector<16xf32>,
      %mul3A_158 = arith.constant 6.553600e+04 : f32
      %mul3A_159 = vector.broadcast %mul3A_158 : f32 to vector<16xf32>
      %mul3A_160 = arith.mulf %get3A_157, %mul3A_159 : vector<16xf32>
      %convert_element_type3A_161 = arith.fptosi %mul3A_160 : vector<16xf32> to vector<16xi32>
      tpu.vector_store_idx %arg5[%convert_element_type3A_161], %broadcast_in_dim3A_7 {add = true} : memref<65792xi32, #tpu.memory_space<vmem>>[vector<16xi32>], vector<16xi32>,
      %mul3A_162 = arith.constant 512 : i32
      %mul3A_163 = arith.muli %scan3A_13, %mul3A_162 : i32
      %add3A_164 = arith.constant 240 : i32
      %add3A_165 = arith.addi %mul3A_163, %add3A_164 : i32
      %get3A_166 = arith.index_cast %add3A_165 : i32 to index
      %get3A_167 = tpu.vector_load %arg4[%get3A_166] {strides = array<i32>} : memref<31744xf32, #tpu.memory_space<vmem>>, vector<16xf32>,
      %mul3A_168 = arith.constant 6.553600e+04 : f32
      %mul3A_169 = vector.broadcast %mul3A_168 : f32 to vector<16xf32>
      %mul3A_170 = arith.mulf %get3A_167, %mul3A_169 : vector<16xf32>
      %convert_element_type3A_171 = arith.fptosi %mul3A_170 : vector<16xf32> to vector<16xi32>
      tpu.vector_store_idx %arg5[%convert_element_type3A_171], %broadcast_in_dim3A_7 {add = true} : memref<65792xi32, #tpu.memory_space<vmem>>[vector<16xi32>], vector<16xi32>,
      %mul3A_172 = arith.constant 512 : i32
      %mul3A_173 = arith.muli %scan3A_13, %mul3A_172 : i32
      %add3A_174 = arith.constant 256 : i32
      %add3A_175 = arith.addi %mul3A_173, %add3A_174 : i32
      %get3A_176 = arith.index_cast %add3A_175 : i32 to index
      %get3A_177 = tpu.vector_load %arg4[%get3A_176] {strides = array<i32>} : memref<31744xf32, #tpu.memory_space<vmem>>, vector<16xf32>,
      %mul3A_178 = arith.constant 6.553600e+04 : f32
      %mul3A_179 = vector.broadcast %mul3A_178 : f32 to vector<16xf32>
      %mul3A_180 = arith.mulf %get3A_177, %mul3A_179 : vector<16xf32>
      %convert_element_type3A_181 = arith.fptosi %mul3A_180 : vector<16xf32> to vector<16xi32>
      tpu.vector_store_idx %arg5[%convert_element_type3A_181], %broadcast_in_dim3A_7 {add = true} : memref<65792xi32, #tpu.memory_space<vmem>>[vector<16xi32>], vector<16xi32>,
      %mul3A_182 = arith.constant 512 : i32
      %mul3A_183 = arith.muli %scan3A_13, %mul3A_182 : i32
      %add3A_184 = arith.constant 272 : i32
      %add3A_185 = arith.addi %mul3A_183, %add3A_184 : i32
      %get3A_186 = arith.index_cast %add3A_185 : i32 to index
      %get3A_187 = tpu.vector_load %arg4[%get3A_186] {strides = array<i32>} : memref<31744xf32, #tpu.memory_space<vmem>>, vector<16xf32>,
      %mul3A_188 = arith.constant 6.553600e+04 : f32
      %mul3A_189 = vector.broadcast %mul3A_188 : f32 to vector<16xf32>
      %mul3A_190 = arith.mulf %get3A_187, %mul3A_189 : vector<16xf32>
      %convert_element_type3A_191 = arith.fptosi %mul3A_190 : vector<16xf32> to vector<16xi32>
      tpu.vector_store_idx %arg5[%convert_element_type3A_191], %broadcast_in_dim3A_7 {add = true} : memref<65792xi32, #tpu.memory_space<vmem>>[vector<16xi32>], vector<16xi32>,
      %mul3A_192 = arith.constant 512 : i32
      %mul3A_193 = arith.muli %scan3A_13, %mul3A_192 : i32
      %add3A_194 = arith.constant 288 : i32
      %add3A_195 = arith.addi %mul3A_193, %add3A_194 : i32
      %get3A_196 = arith.index_cast %add3A_195 : i32 to index
      %get3A_197 = tpu.vector_load %arg4[%get3A_196] {strides = array<i32>} : memref<31744xf32, #tpu.memory_space<vmem>>, vector<16xf32>,
      %mul3A_198 = arith.constant 6.553600e+04 : f32
      %mul3A_199 = vector.broadcast %mul3A_198 : f32 to vector<16xf32>
      %mul3A_200 = arith.mulf %get3A_197, %mul3A_199 : vector<16xf32>
      %convert_element_type3A_201 = arith.fptosi %mul3A_200 : vector<16xf32> to vector<16xi32>
      tpu.vector_store_idx %arg5[%convert_element_type3A_201], %broadcast_in_dim3A_7 {add = true} : memref<65792xi32, #tpu.memory_space<vmem>>[vector<16xi32>], vector<16xi32>,
      %mul3A_202 = arith.constant 512 : i32
      %mul3A_203 = arith.muli %scan3A_13, %mul3A_202 : i32
      %add3A_204 = arith.constant 304 : i32
      %add3A_205 = arith.addi %mul3A_203, %add3A_204 : i32
      %get3A_206 = arith.index_cast %add3A_205 : i32 to index
      %get3A_207 = tpu.vector_load %arg4[%get3A_206] {strides = array<i32>} : memref<31744xf32, #tpu.memory_space<vmem>>, vector<16xf32>,
      %mul3A_208 = arith.constant 6.553600e+04 : f32
      %mul3A_209 = vector.broadcast %mul3A_208 : f32 to vector<16xf32>
      %mul3A_210 = arith.mulf %get3A_207, %mul3A_209 : vector<16xf32>
      %convert_element_type3A_211 = arith.fptosi %mul3A_210 : vector<16xf32> to vector<16xi32>
      tpu.vector_store_idx %arg5[%convert_element_type3A_211], %broadcast_in_dim3A_7 {add = true} : memref<65792xi32, #tpu.memory_space<vmem>>[vector<16xi32>], vector<16xi32>,
      %mul3A_212 = arith.constant 512 : i32
      %mul3A_213 = arith.muli %scan3A_13, %mul3A_212 : i32
      %add3A_214 = arith.constant 320 : i32
      %add3A_215 = arith.addi %mul3A_213, %add3A_214 : i32
      %get3A_216 = arith.index_cast %add3A_215 : i32 to index
      %get3A_217 = tpu.vector_load %arg4[%get3A_216] {strides = array<i32>} : memref<31744xf32, #tpu.memory_space<vmem>>, vector<16xf32>,
      %mul3A_218 = arith.constant 6.553600e+04 : f32
      %mul3A_219 = vector.broadcast %mul3A_218 : f32 to vector<16xf32>
      %mul3A_220 = arith.mulf %get3A_217, %mul3A_219 : vector<16xf32>
      %convert_element_type3A_221 = arith.fptosi %mul3A_220 : vector<16xf32> to vector<16xi32>
      tpu.vector_store_idx %arg5[%convert_element_type3A_221], %broadcast_in_dim3A_7 {add = true} : memref<65792xi32, #tpu.memory_space<vmem>>[vector<16xi32>], vector<16xi32>,
      %mul3A_222 = arith.constant 512 : i32
      %mul3A_223 = arith.muli %scan3A_13, %mul3A_222 : i32
      %add3A_224 = arith.constant 336 : i32
      %add3A_225 = arith.addi %mul3A_223, %add3A_224 : i32
      %get3A_226 = arith.index_cast %add3A_225 : i32 to index
      %get3A_227 = tpu.vector_load %arg4[%get3A_226] {strides = array<i32>} : memref<31744xf32, #tpu.memory_space<vmem>>, vector<16xf32>,
      %mul3A_228 = arith.constant 6.553600e+04 : f32
      %mul3A_229 = vector.broadcast %mul3A_228 : f32 to vector<16xf32>
      %mul3A_230 = arith.mulf %get3A_227, %mul3A_229 : vector<16xf32>
      %convert_element_type3A_231 = arith.fptosi %mul3A_230 : vector<16xf32> to vector<16xi32>
      tpu.vector_store_idx %arg5[%convert_element_type3A_231], %broadcast_in_dim3A_7 {add = true} : memref<65792xi32, #tpu.memory_space<vmem>>[vector<16xi32>], vector<16xi32>,
      %mul3A_232 = arith.constant 512 : i32
      %mul3A_233 = arith.muli %scan3A_13, %mul3A_232 : i32
      %add3A_234 = arith.constant 352 : i32
      %add3A_235 = arith.addi %mul3A_233, %add3A_234 : i32
      %get3A_236 = arith.index_cast %add3A_235 : i32 to index
      %get3A_237 = tpu.vector_load %arg4[%get3A_236] {strides = array<i32>} : memref<31744xf32, #tpu.memory_space<vmem>>, vector<16xf32>,
      %mul3A_238 = arith.constant 6.553600e+04 : f32
      %mul3A_239 = vector.broadcast %mul3A_238 : f32 to vector<16xf32>
      %mul3A_240 = arith.mulf %get3A_237, %mul3A_239 : vector<16xf32>
      %convert_element_type3A_241 = arith.fptosi %mul3A_240 : vector<16xf32> to vector<16xi32>
      tpu.vector_store_idx %arg5[%convert_element_type3A_241], %broadcast_in_dim3A_7 {add = true} : memref<65792xi32, #tpu.memory_space<vmem>>[vector<16xi32>], vector<16xi32>,
      %mul3A_242 = arith.constant 512 : i32
      %mul3A_243 = arith.muli %scan3A_13, %mul3A_242 : i32
      %add3A_244 = arith.constant 368 : i32
      %add3A_245 = arith.addi %mul3A_243, %add3A_244 : i32
      %get3A_246 = arith.index_cast %add3A_245 : i32 to index
      %get3A_247 = tpu.vector_load %arg4[%get3A_246] {strides = array<i32>} : memref<31744xf32, #tpu.memory_space<vmem>>, vector<16xf32>,
      %mul3A_248 = arith.constant 6.553600e+04 : f32
      %mul3A_249 = vector.broadcast %mul3A_248 : f32 to vector<16xf32>
      %mul3A_250 = arith.mulf %get3A_247, %mul3A_249 : vector<16xf32>
      %convert_element_type3A_251 = arith.fptosi %mul3A_250 : vector<16xf32> to vector<16xi32>
      tpu.vector_store_idx %arg5[%convert_element_type3A_251], %broadcast_in_dim3A_7 {add = true} : memref<65792xi32, #tpu.memory_space<vmem>>[vector<16xi32>], vector<16xi32>,
      %mul3A_252 = arith.constant 512 : i32
      %mul3A_253 = arith.muli %scan3A_13, %mul3A_252 : i32
      %add3A_254 = arith.constant 384 : i32
      %add3A_255 = arith.addi %mul3A_253, %add3A_254 : i32
      %get3A_256 = arith.index_cast %add3A_255 : i32 to index
      %get3A_257 = tpu.vector_load %arg4[%get3A_256] {strides = array<i32>} : memref<31744xf32, #tpu.memory_space<vmem>>, vector<16xf32>,
      %mul3A_258 = arith.constant 6.553600e+04 : f32
      %mul3A_259 = vector.broadcast %mul3A_258 : f32 to vector<16xf32>
      %mul3A_260 = arith.mulf %get3A_257, %mul3A_259 : vector<16xf32>
      %convert_element_type3A_261 = arith.fptosi %mul3A_260 : vector<16xf32> to vector<16xi32>
      tpu.vector_store_idx %arg5[%convert_element_type3A_261], %broadcast_in_dim3A_7 {add = true} : memref<65792xi32, #tpu.memory_space<vmem>>[vector<16xi32>], vector<16xi32>,
      %mul3A_262 = arith.constant 512 : i32
      %mul3A_263 = arith.muli %scan3A_13, %mul3A_262 : i32
      %add3A_264 = arith.constant 400 : i32
      %add3A_265 = arith.addi %mul3A_263, %add3A_264 : i32
      %get3A_266 = arith.index_cast %add3A_265 : i32 to index
      %get3A_267 = tpu.vector_load %arg4[%get3A_266] {strides = array<i32>} : memref<31744xf32, #tpu.memory_space<vmem>>, vector<16xf32>,
      %mul3A_268 = arith.constant 6.553600e+04 : f32
      %mul3A_269 = vector.broadcast %mul3A_268 : f32 to vector<16xf32>
      %mul3A_270 = arith.mulf %get3A_267, %mul3A_269 : vector<16xf32>
      %convert_element_type3A_271 = arith.fptosi %mul3A_270 : vector<16xf32> to vector<16xi32>
      tpu.vector_store_idx %arg5[%convert_element_type3A_271], %broadcast_in_dim3A_7 {add = true} : memref<65792xi32, #tpu.memory_space<vmem>>[vector<16xi32>], vector<16xi32>,
      %mul3A_272 = arith.constant 512 : i32
      %mul3A_273 = arith.muli %scan3A_13, %mul3A_272 : i32
      %add3A_274 = arith.constant 416 : i32
      %add3A_275 = arith.addi %mul3A_273, %add3A_274 : i32
      %get3A_276 = arith.index_cast %add3A_275 : i32 to index
      %get3A_277 = tpu.vector_load %arg4[%get3A_276] {strides = array<i32>} : memref<31744xf32, #tpu.memory_space<vmem>>, vector<16xf32>,
      %mul3A_278 = arith.constant 6.553600e+04 : f32
      %mul3A_279 = vector.broadcast %mul3A_278 : f32 to vector<16xf32>
      %mul3A_280 = arith.mulf %get3A_277, %mul3A_279 : vector<16xf32>
      %convert_element_type3A_281 = arith.fptosi %mul3A_280 : vector<16xf32> to vector<16xi32>
      tpu.vector_store_idx %arg5[%convert_element_type3A_281], %broadcast_in_dim3A_7 {add = true} : memref<65792xi32, #tpu.memory_space<vmem>>[vector<16xi32>], vector<16xi32>,
      %mul3A_282 = arith.constant 512 : i32
      %mul3A_283 = arith.muli %scan3A_13, %mul3A_282 : i32
      %add3A_284 = arith.constant 432 : i32
      %add3A_285 = arith.addi %mul3A_283, %add3A_284 : i32
      %get3A_286 = arith.index_cast %add3A_285 : i32 to index
      %get3A_287 = tpu.vector_load %arg4[%get3A_286] {strides = array<i32>} : memref<31744xf32, #tpu.memory_space<vmem>>, vector<16xf32>,
      %mul3A_288 = arith.constant 6.553600e+04 : f32
      %mul3A_289 = vector.broadcast %mul3A_288 : f32 to vector<16xf32>
      %mul3A_290 = arith.mulf %get3A_287, %mul3A_289 : vector<16xf32>
      %convert_element_type3A_291 = arith.fptosi %mul3A_290 : vector<16xf32> to vector<16xi32>
      tpu.vector_store_idx %arg5[%convert_element_type3A_291], %broadcast_in_dim3A_7 {add = true} : memref<65792xi32, #tpu.memory_space<vmem>>[vector<16xi32>], vector<16xi32>,
      %mul3A_292 = arith.constant 512 : i32
      %mul3A_293 = arith.muli %scan3A_13, %mul3A_292 : i32
      %add3A_294 = arith.constant 448 : i32
      %add3A_295 = arith.addi %mul3A_293, %add3A_294 : i32
      %get3A_296 = arith.index_cast %add3A_295 : i32 to index
      %get3A_297 = tpu.vector_load %arg4[%get3A_296] {strides = array<i32>} : memref<31744xf32, #tpu.memory_space<vmem>>, vector<16xf32>,
      %mul3A_298 = arith.constant 6.553600e+04 : f32
      %mul3A_299 = vector.broadcast %mul3A_298 : f32 to vector<16xf32>
      %mul3A_300 = arith.mulf %get3A_297, %mul3A_299 : vector<16xf32>
      %convert_element_type3A_301 = arith.fptosi %mul3A_300 : vector<16xf32> to vector<16xi32>
      tpu.vector_store_idx %arg5[%convert_element_type3A_301], %broadcast_in_dim3A_7 {add = true} : memref<65792xi32, #tpu.memory_space<vmem>>[vector<16xi32>], vector<16xi32>,
      %mul3A_302 = arith.constant 512 : i32
      %mul3A_303 = arith.muli %scan3A_13, %mul3A_302 : i32
      %add3A_304 = arith.constant 464 : i32
      %add3A_305 = arith.addi %mul3A_303, %add3A_304 : i32
      %get3A_306 = arith.index_cast %add3A_305 : i32 to index
      %get3A_307 = tpu.vector_load %arg4[%get3A_306] {strides = array<i32>} : memref<31744xf32, #tpu.memory_space<vmem>>, vector<16xf32>,
      %mul3A_308 = arith.constant 6.553600e+04 : f32
      %mul3A_309 = vector.broadcast %mul3A_308 : f32 to vector<16xf32>
      %mul3A_310 = arith.mulf %get3A_307, %mul3A_309 : vector<16xf32>
      %convert_element_type3A_311 = arith.fptosi %mul3A_310 : vector<16xf32> to vector<16xi32>
      tpu.vector_store_idx %arg5[%convert_element_type3A_311], %broadcast_in_dim3A_7 {add = true} : memref<65792xi32, #tpu.memory_space<vmem>>[vector<16xi32>], vector<16xi32>,
      %mul3A_312 = arith.constant 512 : i32
      %mul3A_313 = arith.muli %scan3A_13, %mul3A_312 : i32
      %add3A_314 = arith.constant 480 : i32
      %add3A_315 = arith.addi %mul3A_313, %add3A_314 : i32
      %get3A_316 = arith.index_cast %add3A_315 : i32 to index
      %get3A_317 = tpu.vector_load %arg4[%get3A_316] {strides = array<i32>} : memref<31744xf32, #tpu.memory_space<vmem>>, vector<16xf32>,
      %mul3A_318 = arith.constant 6.553600e+04 : f32
      %mul3A_319 = vector.broadcast %mul3A_318 : f32 to vector<16xf32>
      %mul3A_320 = arith.mulf %get3A_317, %mul3A_319 : vector<16xf32>
      %convert_element_type3A_321 = arith.fptosi %mul3A_320 : vector<16xf32> to vector<16xi32>
      tpu.vector_store_idx %arg5[%convert_element_type3A_321], %broadcast_in_dim3A_7 {add = true} : memref<65792xi32, #tpu.memory_space<vmem>>[vector<16xi32>], vector<16xi32>,
      %mul3A_322 = arith.constant 512 : i32
      %mul3A_323 = arith.muli %scan3A_13, %mul3A_322 : i32
      %add3A_324 = arith.constant 496 : i32
      %add3A_325 = arith.addi %mul3A_323, %add3A_324 : i32
      %get3A_326 = arith.index_cast %add3A_325 : i32 to index
      %get3A_327 = tpu.vector_load %arg4[%get3A_326] {strides = array<i32>} : memref<31744xf32, #tpu.memory_space<vmem>>, vector<16xf32>,
      %mul3A_328 = arith.constant 6.553600e+04 : f32
      %mul3A_329 = vector.broadcast %mul3A_328 : f32 to vector<16xf32>
      %mul3A_330 = arith.mulf %get3A_327, %mul3A_329 : vector<16xf32>
      %convert_element_type3A_331 = arith.fptosi %mul3A_330 : vector<16xf32> to vector<16xi32>
      tpu.vector_store_idx %arg5[%convert_element_type3A_331], %broadcast_in_dim3A_7 {add = true} : memref<65792xi32, #tpu.memory_space<vmem>>[vector<16xi32>], vector<16xi32>,
    }
    %scan3A_12 = arith.constant 62 : i32
    "tpu.region"() ({
      %run_scoped3A = tpu.sem_alloc : memref<!tpu.dma_semaphore, #tpu.memory_space<semaphore_mem>>
      %dma_start3A = arith.constant 0 : i32
      %dma_start3A_13 = tpu.memref_slice %arg5[%dma_start3A] : memref<65792xi32, #tpu.memory_space<vmem>> -> memref<65536xi32, #tpu.memory_space<vmem>>
      %dma_start3A_14 = arith.constant 0 : i32
      %dma_start3A_15 = tpu.memref_slice %arg3[%add3A, %dma_start3A_14] : memref<32x65536xi32, #tpu.memory_space<hbm>> -> memref<1x65536xi32, #tpu.memory_space<hbm>>
      %dma_start3A_16 = tpu.memref_squeeze %dma_start3A_15 : memref<1x65536xi32, #tpu.memory_space<hbm>> -> memref<65536xi32, #tpu.memory_space<hbm>>
      %dma_start3A_17 = arith.constant 0 : i32
      %dma_start3A_18 = tpu.memref_slice %arg3[%add3A, %dma_start3A_17] : memref<32x65536xi32, #tpu.memory_space<hbm>> -> memref<1x65536xi32, #tpu.memory_space<hbm>>
      %dma_start3A_19 = tpu.memref_squeeze %dma_start3A_18 : memref<1x65536xi32, #tpu.memory_space<hbm>> -> memref<65536xi32, #tpu.memory_space<hbm>>
      %dma_start3A_20 = arith.constant 0 : i32
      %dma_start3A_21 = tpu.memref_slice %arg5[%dma_start3A_20] : memref<65792xi32, #tpu.memory_space<vmem>> -> memref<65536xi32, #tpu.memory_space<vmem>>
      tpu.enqueue_dma source(%dma_start3A_21 : memref<65536xi32, #tpu.memory_space<vmem>>) target(%dma_start3A_19 : memref<65536xi32, #tpu.memory_space<hbm>>) target_semaphore(%run_scoped3A : memref<!tpu.dma_semaphore, #tpu.memory_space<semaphore_mem>>)
      %dma_wait3A = arith.constant 0 : i32
      %dma_wait3A_22 = tpu.memref_slice %arg5[%dma_wait3A] : memref<65792xi32, #tpu.memory_space<vmem>> -> memref<65536xi32, #tpu.memory_space<vmem>>
      %dma_wait3A_23 = arith.constant 0 : i32
      %dma_wait3A_24 = tpu.memref_slice %arg3[%add3A, %dma_wait3A_23] : memref<32x65536xi32, #tpu.memory_space<hbm>> -> memref<1x65536xi32, #tpu.memory_space<hbm>>
      %dma_wait3A_25 = tpu.memref_squeeze %dma_wait3A_24 : memref<1x65536xi32, #tpu.memory_space<hbm>> -> memref<65536xi32, #tpu.memory_space<hbm>>
      %dma_wait3A_26 = arith.constant 0 : i32
      %dma_wait3A_27 = tpu.memref_slice %arg3[%add3A, %dma_wait3A_26] : memref<32x65536xi32, #tpu.memory_space<hbm>> -> memref<1x65536xi32, #tpu.memory_space<hbm>>
      %dma_wait3A_28 = tpu.memref_squeeze %dma_wait3A_27 : memref<1x65536xi32, #tpu.memory_space<hbm>> -> memref<65536xi32, #tpu.memory_space<hbm>>
      %dma_wait3A_29 = arith.constant 0 : i32
      %dma_wait3A_30 = tpu.memref_slice %arg5[%dma_wait3A_29] : memref<65792xi32, #tpu.memory_space<vmem>> -> memref<65536xi32, #tpu.memory_space<vmem>>
      tpu.wait_dma2 semaphore(%run_scoped3A : memref<!tpu.dma_semaphore, #tpu.memory_space<semaphore_mem>>) src(%dma_wait3A_30 : memref<65536xi32, #tpu.memory_space<vmem>>) dst(%dma_wait3A_28 : memref<65536xi32, #tpu.memory_space<hbm>>)
      tpu.yield
    }) : () -> ()
    return
  }
}

#map = affine_map<(d0, d1) -> (0, 0)>
#map1 = affine_map<(d0, d1) -> (0)>
module attributes {stable_mosaic.version = 14 : i64} {
  func.func @_bin_body(%arg0: i32, %arg1: i32, %arg2: memref<32x31744xf32, #tpu.memory_space<hbm>>, %arg3: memref<65792xi32, #tpu.memory_space<hbm>>, %arg4: memref<32x20480xf32, #tpu.memory_space<hbm>>, %arg5: memref<65792xi32, #tpu.memory_space<vmem>>, %arg6: memref<20480xf32, #tpu.memory_space<vmem>>, %arg7: memref<31744xf32, #tpu.memory_space<vmem>>) attributes {dimension_semantics = [#tpu.dimension_semantics<core_parallel>, #tpu.dimension_semantics<subcore_parallel>], iteration_bounds = array<i64: 2, 16>, scalar_prefetch = 0 : i64, scratch_operands = 3 : i64, tpu.core_type = #tpu.core_type<sc_vector_subcore>, window_params = [{transform_indices = #map}, {transform_indices = #map1}, {transform_indices = #map}]} {
    %mul3A = arith.constant 2 : i32
    %mul3A_0 = arith.muli %arg1, %mul3A : i32
    %add3A = arith.addi %mul3A_0, %arg0 : i32
    %broadcast_in_dim3A = arith.constant 0.000000e+00 : f32
    %broadcast_in_dim3A_1 = vector.broadcast %broadcast_in_dim3A : f32 to vector<16xf32>
    %scan3A = arith.constant 0 : i32
    %scan3A_2 = arith.constant 40 : i32
    %scan3A_3 = arith.addi %scan3A, %scan3A_2 : i32
    %scan3A_4 = arith.constant 1 : i32
    scf.for %scan3A_13 = %scan3A to %scan3A_3 step %scan3A_4  : i32 {
      %mul3A_14 = arith.constant 512 : i32
      %mul3A_15 = arith.muli %scan3A_13, %mul3A_14 : i32
      %add3A_16 = arith.constant 0 : i32
      %add3A_17 = arith.addi %mul3A_15, %add3A_16 : i32
      %swap3A = arith.index_cast %add3A_17 : i32 to index
      %swap3A_18 = tpu.vector_load %arg6[%swap3A] {strides = array<i32>} : memref<20480xf32, #tpu.memory_space<vmem>>, vector<16xf32>,
      tpu.vector_store %arg6[%swap3A], %broadcast_in_dim3A_1 {strides = array<i32>} : memref<20480xf32, #tpu.memory_space<vmem>>, vector<16xf32>,
      %mul3A_19 = arith.constant 512 : i32
      %mul3A_20 = arith.muli %scan3A_13, %mul3A_19 : i32
      %add3A_21 = arith.constant 16 : i32
      %add3A_22 = arith.addi %mul3A_20, %add3A_21 : i32
      %swap3A_23 = arith.index_cast %add3A_22 : i32 to index
      %swap3A_24 = tpu.vector_load %arg6[%swap3A_23] {strides = array<i32>} : memref<20480xf32, #tpu.memory_space<vmem>>, vector<16xf32>,
      tpu.vector_store %arg6[%swap3A_23], %broadcast_in_dim3A_1 {strides = array<i32>} : memref<20480xf32, #tpu.memory_space<vmem>>, vector<16xf32>,
      %mul3A_25 = arith.constant 512 : i32
      %mul3A_26 = arith.muli %scan3A_13, %mul3A_25 : i32
      %add3A_27 = arith.constant 32 : i32
      %add3A_28 = arith.addi %mul3A_26, %add3A_27 : i32
      %swap3A_29 = arith.index_cast %add3A_28 : i32 to index
      %swap3A_30 = tpu.vector_load %arg6[%swap3A_29] {strides = array<i32>} : memref<20480xf32, #tpu.memory_space<vmem>>, vector<16xf32>,
      tpu.vector_store %arg6[%swap3A_29], %broadcast_in_dim3A_1 {strides = array<i32>} : memref<20480xf32, #tpu.memory_space<vmem>>, vector<16xf32>,
      %mul3A_31 = arith.constant 512 : i32
      %mul3A_32 = arith.muli %scan3A_13, %mul3A_31 : i32
      %add3A_33 = arith.constant 48 : i32
      %add3A_34 = arith.addi %mul3A_32, %add3A_33 : i32
      %swap3A_35 = arith.index_cast %add3A_34 : i32 to index
      %swap3A_36 = tpu.vector_load %arg6[%swap3A_35] {strides = array<i32>} : memref<20480xf32, #tpu.memory_space<vmem>>, vector<16xf32>,
      tpu.vector_store %arg6[%swap3A_35], %broadcast_in_dim3A_1 {strides = array<i32>} : memref<20480xf32, #tpu.memory_space<vmem>>, vector<16xf32>,
      %mul3A_37 = arith.constant 512 : i32
      %mul3A_38 = arith.muli %scan3A_13, %mul3A_37 : i32
      %add3A_39 = arith.constant 64 : i32
      %add3A_40 = arith.addi %mul3A_38, %add3A_39 : i32
      %swap3A_41 = arith.index_cast %add3A_40 : i32 to index
      %swap3A_42 = tpu.vector_load %arg6[%swap3A_41] {strides = array<i32>} : memref<20480xf32, #tpu.memory_space<vmem>>, vector<16xf32>,
      tpu.vector_store %arg6[%swap3A_41], %broadcast_in_dim3A_1 {strides = array<i32>} : memref<20480xf32, #tpu.memory_space<vmem>>, vector<16xf32>,
      %mul3A_43 = arith.constant 512 : i32
      %mul3A_44 = arith.muli %scan3A_13, %mul3A_43 : i32
      %add3A_45 = arith.constant 80 : i32
      %add3A_46 = arith.addi %mul3A_44, %add3A_45 : i32
      %swap3A_47 = arith.index_cast %add3A_46 : i32 to index
      %swap3A_48 = tpu.vector_load %arg6[%swap3A_47] {strides = array<i32>} : memref<20480xf32, #tpu.memory_space<vmem>>, vector<16xf32>,
      tpu.vector_store %arg6[%swap3A_47], %broadcast_in_dim3A_1 {strides = array<i32>} : memref<20480xf32, #tpu.memory_space<vmem>>, vector<16xf32>,
      %mul3A_49 = arith.constant 512 : i32
      %mul3A_50 = arith.muli %scan3A_13, %mul3A_49 : i32
      %add3A_51 = arith.constant 96 : i32
      %add3A_52 = arith.addi %mul3A_50, %add3A_51 : i32
      %swap3A_53 = arith.index_cast %add3A_52 : i32 to index
      %swap3A_54 = tpu.vector_load %arg6[%swap3A_53] {strides = array<i32>} : memref<20480xf32, #tpu.memory_space<vmem>>, vector<16xf32>,
      tpu.vector_store %arg6[%swap3A_53], %broadcast_in_dim3A_1 {strides = array<i32>} : memref<20480xf32, #tpu.memory_space<vmem>>, vector<16xf32>,
      %mul3A_55 = arith.constant 512 : i32
      %mul3A_56 = arith.muli %scan3A_13, %mul3A_55 : i32
      %add3A_57 = arith.constant 112 : i32
      %add3A_58 = arith.addi %mul3A_56, %add3A_57 : i32
      %swap3A_59 = arith.index_cast %add3A_58 : i32 to index
      %swap3A_60 = tpu.vector_load %arg6[%swap3A_59] {strides = array<i32>} : memref<20480xf32, #tpu.memory_space<vmem>>, vector<16xf32>,
      tpu.vector_store %arg6[%swap3A_59], %broadcast_in_dim3A_1 {strides = array<i32>} : memref<20480xf32, #tpu.memory_space<vmem>>, vector<16xf32>,
      %mul3A_61 = arith.constant 512 : i32
      %mul3A_62 = arith.muli %scan3A_13, %mul3A_61 : i32
      %add3A_63 = arith.constant 128 : i32
      %add3A_64 = arith.addi %mul3A_62, %add3A_63 : i32
      %swap3A_65 = arith.index_cast %add3A_64 : i32 to index
      %swap3A_66 = tpu.vector_load %arg6[%swap3A_65] {strides = array<i32>} : memref<20480xf32, #tpu.memory_space<vmem>>, vector<16xf32>,
      tpu.vector_store %arg6[%swap3A_65], %broadcast_in_dim3A_1 {strides = array<i32>} : memref<20480xf32, #tpu.memory_space<vmem>>, vector<16xf32>,
      %mul3A_67 = arith.constant 512 : i32
      %mul3A_68 = arith.muli %scan3A_13, %mul3A_67 : i32
      %add3A_69 = arith.constant 144 : i32
      %add3A_70 = arith.addi %mul3A_68, %add3A_69 : i32
      %swap3A_71 = arith.index_cast %add3A_70 : i32 to index
      %swap3A_72 = tpu.vector_load %arg6[%swap3A_71] {strides = array<i32>} : memref<20480xf32, #tpu.memory_space<vmem>>, vector<16xf32>,
      tpu.vector_store %arg6[%swap3A_71], %broadcast_in_dim3A_1 {strides = array<i32>} : memref<20480xf32, #tpu.memory_space<vmem>>, vector<16xf32>,
      %mul3A_73 = arith.constant 512 : i32
      %mul3A_74 = arith.muli %scan3A_13, %mul3A_73 : i32
      %add3A_75 = arith.constant 160 : i32
      %add3A_76 = arith.addi %mul3A_74, %add3A_75 : i32
      %swap3A_77 = arith.index_cast %add3A_76 : i32 to index
      %swap3A_78 = tpu.vector_load %arg6[%swap3A_77] {strides = array<i32>} : memref<20480xf32, #tpu.memory_space<vmem>>, vector<16xf32>,
      tpu.vector_store %arg6[%swap3A_77], %broadcast_in_dim3A_1 {strides = array<i32>} : memref<20480xf32, #tpu.memory_space<vmem>>, vector<16xf32>,
      %mul3A_79 = arith.constant 512 : i32
      %mul3A_80 = arith.muli %scan3A_13, %mul3A_79 : i32
      %add3A_81 = arith.constant 176 : i32
      %add3A_82 = arith.addi %mul3A_80, %add3A_81 : i32
      %swap3A_83 = arith.index_cast %add3A_82 : i32 to index
      %swap3A_84 = tpu.vector_load %arg6[%swap3A_83] {strides = array<i32>} : memref<20480xf32, #tpu.memory_space<vmem>>, vector<16xf32>,
      tpu.vector_store %arg6[%swap3A_83], %broadcast_in_dim3A_1 {strides = array<i32>} : memref<20480xf32, #tpu.memory_space<vmem>>, vector<16xf32>,
      %mul3A_85 = arith.constant 512 : i32
      %mul3A_86 = arith.muli %scan3A_13, %mul3A_85 : i32
      %add3A_87 = arith.constant 192 : i32
      %add3A_88 = arith.addi %mul3A_86, %add3A_87 : i32
      %swap3A_89 = arith.index_cast %add3A_88 : i32 to index
      %swap3A_90 = tpu.vector_load %arg6[%swap3A_89] {strides = array<i32>} : memref<20480xf32, #tpu.memory_space<vmem>>, vector<16xf32>,
      tpu.vector_store %arg6[%swap3A_89], %broadcast_in_dim3A_1 {strides = array<i32>} : memref<20480xf32, #tpu.memory_space<vmem>>, vector<16xf32>,
      %mul3A_91 = arith.constant 512 : i32
      %mul3A_92 = arith.muli %scan3A_13, %mul3A_91 : i32
      %add3A_93 = arith.constant 208 : i32
      %add3A_94 = arith.addi %mul3A_92, %add3A_93 : i32
      %swap3A_95 = arith.index_cast %add3A_94 : i32 to index
      %swap3A_96 = tpu.vector_load %arg6[%swap3A_95] {strides = array<i32>} : memref<20480xf32, #tpu.memory_space<vmem>>, vector<16xf32>,
      tpu.vector_store %arg6[%swap3A_95], %broadcast_in_dim3A_1 {strides = array<i32>} : memref<20480xf32, #tpu.memory_space<vmem>>, vector<16xf32>,
      %mul3A_97 = arith.constant 512 : i32
      %mul3A_98 = arith.muli %scan3A_13, %mul3A_97 : i32
      %add3A_99 = arith.constant 224 : i32
      %add3A_100 = arith.addi %mul3A_98, %add3A_99 : i32
      %swap3A_101 = arith.index_cast %add3A_100 : i32 to index
      %swap3A_102 = tpu.vector_load %arg6[%swap3A_101] {strides = array<i32>} : memref<20480xf32, #tpu.memory_space<vmem>>, vector<16xf32>,
      tpu.vector_store %arg6[%swap3A_101], %broadcast_in_dim3A_1 {strides = array<i32>} : memref<20480xf32, #tpu.memory_space<vmem>>, vector<16xf32>,
      %mul3A_103 = arith.constant 512 : i32
      %mul3A_104 = arith.muli %scan3A_13, %mul3A_103 : i32
      %add3A_105 = arith.constant 240 : i32
      %add3A_106 = arith.addi %mul3A_104, %add3A_105 : i32
      %swap3A_107 = arith.index_cast %add3A_106 : i32 to index
      %swap3A_108 = tpu.vector_load %arg6[%swap3A_107] {strides = array<i32>} : memref<20480xf32, #tpu.memory_space<vmem>>, vector<16xf32>,
      tpu.vector_store %arg6[%swap3A_107], %broadcast_in_dim3A_1 {strides = array<i32>} : memref<20480xf32, #tpu.memory_space<vmem>>, vector<16xf32>,
      %mul3A_109 = arith.constant 512 : i32
      %mul3A_110 = arith.muli %scan3A_13, %mul3A_109 : i32
      %add3A_111 = arith.constant 256 : i32
      %add3A_112 = arith.addi %mul3A_110, %add3A_111 : i32
      %swap3A_113 = arith.index_cast %add3A_112 : i32 to index
      %swap3A_114 = tpu.vector_load %arg6[%swap3A_113] {strides = array<i32>} : memref<20480xf32, #tpu.memory_space<vmem>>, vector<16xf32>,
      tpu.vector_store %arg6[%swap3A_113], %broadcast_in_dim3A_1 {strides = array<i32>} : memref<20480xf32, #tpu.memory_space<vmem>>, vector<16xf32>,
      %mul3A_115 = arith.constant 512 : i32
      %mul3A_116 = arith.muli %scan3A_13, %mul3A_115 : i32
      %add3A_117 = arith.constant 272 : i32
      %add3A_118 = arith.addi %mul3A_116, %add3A_117 : i32
      %swap3A_119 = arith.index_cast %add3A_118 : i32 to index
      %swap3A_120 = tpu.vector_load %arg6[%swap3A_119] {strides = array<i32>} : memref<20480xf32, #tpu.memory_space<vmem>>, vector<16xf32>,
      tpu.vector_store %arg6[%swap3A_119], %broadcast_in_dim3A_1 {strides = array<i32>} : memref<20480xf32, #tpu.memory_space<vmem>>, vector<16xf32>,
      %mul3A_121 = arith.constant 512 : i32
      %mul3A_122 = arith.muli %scan3A_13, %mul3A_121 : i32
      %add3A_123 = arith.constant 288 : i32
      %add3A_124 = arith.addi %mul3A_122, %add3A_123 : i32
      %swap3A_125 = arith.index_cast %add3A_124 : i32 to index
      %swap3A_126 = tpu.vector_load %arg6[%swap3A_125] {strides = array<i32>} : memref<20480xf32, #tpu.memory_space<vmem>>, vector<16xf32>,
      tpu.vector_store %arg6[%swap3A_125], %broadcast_in_dim3A_1 {strides = array<i32>} : memref<20480xf32, #tpu.memory_space<vmem>>, vector<16xf32>,
      %mul3A_127 = arith.constant 512 : i32
      %mul3A_128 = arith.muli %scan3A_13, %mul3A_127 : i32
      %add3A_129 = arith.constant 304 : i32
      %add3A_130 = arith.addi %mul3A_128, %add3A_129 : i32
      %swap3A_131 = arith.index_cast %add3A_130 : i32 to index
      %swap3A_132 = tpu.vector_load %arg6[%swap3A_131] {strides = array<i32>} : memref<20480xf32, #tpu.memory_space<vmem>>, vector<16xf32>,
      tpu.vector_store %arg6[%swap3A_131], %broadcast_in_dim3A_1 {strides = array<i32>} : memref<20480xf32, #tpu.memory_space<vmem>>, vector<16xf32>,
      %mul3A_133 = arith.constant 512 : i32
      %mul3A_134 = arith.muli %scan3A_13, %mul3A_133 : i32
      %add3A_135 = arith.constant 320 : i32
      %add3A_136 = arith.addi %mul3A_134, %add3A_135 : i32
      %swap3A_137 = arith.index_cast %add3A_136 : i32 to index
      %swap3A_138 = tpu.vector_load %arg6[%swap3A_137] {strides = array<i32>} : memref<20480xf32, #tpu.memory_space<vmem>>, vector<16xf32>,
      tpu.vector_store %arg6[%swap3A_137], %broadcast_in_dim3A_1 {strides = array<i32>} : memref<20480xf32, #tpu.memory_space<vmem>>, vector<16xf32>,
      %mul3A_139 = arith.constant 512 : i32
      %mul3A_140 = arith.muli %scan3A_13, %mul3A_139 : i32
      %add3A_141 = arith.constant 336 : i32
      %add3A_142 = arith.addi %mul3A_140, %add3A_141 : i32
      %swap3A_143 = arith.index_cast %add3A_142 : i32 to index
      %swap3A_144 = tpu.vector_load %arg6[%swap3A_143] {strides = array<i32>} : memref<20480xf32, #tpu.memory_space<vmem>>, vector<16xf32>,
      tpu.vector_store %arg6[%swap3A_143], %broadcast_in_dim3A_1 {strides = array<i32>} : memref<20480xf32, #tpu.memory_space<vmem>>, vector<16xf32>,
      %mul3A_145 = arith.constant 512 : i32
      %mul3A_146 = arith.muli %scan3A_13, %mul3A_145 : i32
      %add3A_147 = arith.constant 352 : i32
      %add3A_148 = arith.addi %mul3A_146, %add3A_147 : i32
      %swap3A_149 = arith.index_cast %add3A_148 : i32 to index
      %swap3A_150 = tpu.vector_load %arg6[%swap3A_149] {strides = array<i32>} : memref<20480xf32, #tpu.memory_space<vmem>>, vector<16xf32>,
      tpu.vector_store %arg6[%swap3A_149], %broadcast_in_dim3A_1 {strides = array<i32>} : memref<20480xf32, #tpu.memory_space<vmem>>, vector<16xf32>,
      %mul3A_151 = arith.constant 512 : i32
      %mul3A_152 = arith.muli %scan3A_13, %mul3A_151 : i32
      %add3A_153 = arith.constant 368 : i32
      %add3A_154 = arith.addi %mul3A_152, %add3A_153 : i32
      %swap3A_155 = arith.index_cast %add3A_154 : i32 to index
      %swap3A_156 = tpu.vector_load %arg6[%swap3A_155] {strides = array<i32>} : memref<20480xf32, #tpu.memory_space<vmem>>, vector<16xf32>,
      tpu.vector_store %arg6[%swap3A_155], %broadcast_in_dim3A_1 {strides = array<i32>} : memref<20480xf32, #tpu.memory_space<vmem>>, vector<16xf32>,
      %mul3A_157 = arith.constant 512 : i32
      %mul3A_158 = arith.muli %scan3A_13, %mul3A_157 : i32
      %add3A_159 = arith.constant 384 : i32
      %add3A_160 = arith.addi %mul3A_158, %add3A_159 : i32
      %swap3A_161 = arith.index_cast %add3A_160 : i32 to index
      %swap3A_162 = tpu.vector_load %arg6[%swap3A_161] {strides = array<i32>} : memref<20480xf32, #tpu.memory_space<vmem>>, vector<16xf32>,
      tpu.vector_store %arg6[%swap3A_161], %broadcast_in_dim3A_1 {strides = array<i32>} : memref<20480xf32, #tpu.memory_space<vmem>>, vector<16xf32>,
      %mul3A_163 = arith.constant 512 : i32
      %mul3A_164 = arith.muli %scan3A_13, %mul3A_163 : i32
      %add3A_165 = arith.constant 400 : i32
      %add3A_166 = arith.addi %mul3A_164, %add3A_165 : i32
      %swap3A_167 = arith.index_cast %add3A_166 : i32 to index
      %swap3A_168 = tpu.vector_load %arg6[%swap3A_167] {strides = array<i32>} : memref<20480xf32, #tpu.memory_space<vmem>>, vector<16xf32>,
      tpu.vector_store %arg6[%swap3A_167], %broadcast_in_dim3A_1 {strides = array<i32>} : memref<20480xf32, #tpu.memory_space<vmem>>, vector<16xf32>,
      %mul3A_169 = arith.constant 512 : i32
      %mul3A_170 = arith.muli %scan3A_13, %mul3A_169 : i32
      %add3A_171 = arith.constant 416 : i32
      %add3A_172 = arith.addi %mul3A_170, %add3A_171 : i32
      %swap3A_173 = arith.index_cast %add3A_172 : i32 to index
      %swap3A_174 = tpu.vector_load %arg6[%swap3A_173] {strides = array<i32>} : memref<20480xf32, #tpu.memory_space<vmem>>, vector<16xf32>,
      tpu.vector_store %arg6[%swap3A_173], %broadcast_in_dim3A_1 {strides = array<i32>} : memref<20480xf32, #tpu.memory_space<vmem>>, vector<16xf32>,
      %mul3A_175 = arith.constant 512 : i32
      %mul3A_176 = arith.muli %scan3A_13, %mul3A_175 : i32
      %add3A_177 = arith.constant 432 : i32
      %add3A_178 = arith.addi %mul3A_176, %add3A_177 : i32
      %swap3A_179 = arith.index_cast %add3A_178 : i32 to index
      %swap3A_180 = tpu.vector_load %arg6[%swap3A_179] {strides = array<i32>} : memref<20480xf32, #tpu.memory_space<vmem>>, vector<16xf32>,
      tpu.vector_store %arg6[%swap3A_179], %broadcast_in_dim3A_1 {strides = array<i32>} : memref<20480xf32, #tpu.memory_space<vmem>>, vector<16xf32>,
      %mul3A_181 = arith.constant 512 : i32
      %mul3A_182 = arith.muli %scan3A_13, %mul3A_181 : i32
      %add3A_183 = arith.constant 448 : i32
      %add3A_184 = arith.addi %mul3A_182, %add3A_183 : i32
      %swap3A_185 = arith.index_cast %add3A_184 : i32 to index
      %swap3A_186 = tpu.vector_load %arg6[%swap3A_185] {strides = array<i32>} : memref<20480xf32, #tpu.memory_space<vmem>>, vector<16xf32>,
      tpu.vector_store %arg6[%swap3A_185], %broadcast_in_dim3A_1 {strides = array<i32>} : memref<20480xf32, #tpu.memory_space<vmem>>, vector<16xf32>,
      %mul3A_187 = arith.constant 512 : i32
      %mul3A_188 = arith.muli %scan3A_13, %mul3A_187 : i32
      %add3A_189 = arith.constant 464 : i32
      %add3A_190 = arith.addi %mul3A_188, %add3A_189 : i32
      %swap3A_191 = arith.index_cast %add3A_190 : i32 to index
      %swap3A_192 = tpu.vector_load %arg6[%swap3A_191] {strides = array<i32>} : memref<20480xf32, #tpu.memory_space<vmem>>, vector<16xf32>,
      tpu.vector_store %arg6[%swap3A_191], %broadcast_in_dim3A_1 {strides = array<i32>} : memref<20480xf32, #tpu.memory_space<vmem>>, vector<16xf32>,
      %mul3A_193 = arith.constant 512 : i32
      %mul3A_194 = arith.muli %scan3A_13, %mul3A_193 : i32
      %add3A_195 = arith.constant 480 : i32
      %add3A_196 = arith.addi %mul3A_194, %add3A_195 : i32
      %swap3A_197 = arith.index_cast %add3A_196 : i32 to index
      %swap3A_198 = tpu.vector_load %arg6[%swap3A_197] {strides = array<i32>} : memref<20480xf32, #tpu.memory_space<vmem>>, vector<16xf32>,
      tpu.vector_store %arg6[%swap3A_197], %broadcast_in_dim3A_1 {strides = array<i32>} : memref<20480xf32, #tpu.memory_space<vmem>>, vector<16xf32>,
      %mul3A_199 = arith.constant 512 : i32
      %mul3A_200 = arith.muli %scan3A_13, %mul3A_199 : i32
      %add3A_201 = arith.constant 496 : i32
      %add3A_202 = arith.addi %mul3A_200, %add3A_201 : i32
      %swap3A_203 = arith.index_cast %add3A_202 : i32 to index
      %swap3A_204 = tpu.vector_load %arg6[%swap3A_203] {strides = array<i32>} : memref<20480xf32, #tpu.memory_space<vmem>>, vector<16xf32>,
      tpu.vector_store %arg6[%swap3A_203], %broadcast_in_dim3A_1 {strides = array<i32>} : memref<20480xf32, #tpu.memory_space<vmem>>, vector<16xf32>,
    }
    %scan3A_5 = arith.constant 40 : i32
    "tpu.region"() ({
      %run_scoped3A = tpu.sem_alloc : memref<!tpu.dma_semaphore, #tpu.memory_space<semaphore_mem>>
      tpu.enqueue_dma source(%arg3 : memref<65792xi32, #tpu.memory_space<hbm>>) target(%arg5 : memref<65792xi32, #tpu.memory_space<vmem>>) target_semaphore(%run_scoped3A : memref<!tpu.dma_semaphore, #tpu.memory_space<semaphore_mem>>)
      tpu.wait_dma2 semaphore(%run_scoped3A : memref<!tpu.dma_semaphore, #tpu.memory_space<semaphore_mem>>) src(%arg3 : memref<65792xi32, #tpu.memory_space<hbm>>) dst(%arg5 : memref<65792xi32, #tpu.memory_space<vmem>>)
      tpu.yield
    }) : () -> ()
    "tpu.region"() ({
      %run_scoped3A = tpu.sem_alloc : memref<!tpu.dma_semaphore, #tpu.memory_space<semaphore_mem>>
      %dma_start3A = arith.constant 0 : i32
      %dma_start3A_13 = tpu.memref_slice %arg2[%add3A, %dma_start3A] : memref<32x31744xf32, #tpu.memory_space<hbm>> -> memref<1x31744xf32, #tpu.memory_space<hbm>>
      %dma_start3A_14 = tpu.memref_squeeze %dma_start3A_13 : memref<1x31744xf32, #tpu.memory_space<hbm>> -> memref<31744xf32, #tpu.memory_space<hbm>>
      %dma_start3A_15 = arith.constant 0 : i32
      %dma_start3A_16 = tpu.memref_slice %arg2[%add3A, %dma_start3A_15] : memref<32x31744xf32, #tpu.memory_space<hbm>> -> memref<1x31744xf32, #tpu.memory_space<hbm>>
      %dma_start3A_17 = tpu.memref_squeeze %dma_start3A_16 : memref<1x31744xf32, #tpu.memory_space<hbm>> -> memref<31744xf32, #tpu.memory_space<hbm>>
      tpu.enqueue_dma source(%dma_start3A_17 : memref<31744xf32, #tpu.memory_space<hbm>>) target(%arg7 : memref<31744xf32, #tpu.memory_space<vmem>>) target_semaphore(%run_scoped3A : memref<!tpu.dma_semaphore, #tpu.memory_space<semaphore_mem>>)
      %dma_wait3A = arith.constant 0 : i32
      %dma_wait3A_18 = tpu.memref_slice %arg2[%add3A, %dma_wait3A] : memref<32x31744xf32, #tpu.memory_space<hbm>> -> memref<1x31744xf32, #tpu.memory_space<hbm>>
      %dma_wait3A_19 = tpu.memref_squeeze %dma_wait3A_18 : memref<1x31744xf32, #tpu.memory_space<hbm>> -> memref<31744xf32, #tpu.memory_space<hbm>>
      %dma_wait3A_20 = arith.constant 0 : i32
      %dma_wait3A_21 = tpu.memref_slice %arg2[%add3A, %dma_wait3A_20] : memref<32x31744xf32, #tpu.memory_space<hbm>> -> memref<1x31744xf32, #tpu.memory_space<hbm>>
      %dma_wait3A_22 = tpu.memref_squeeze %dma_wait3A_21 : memref<1x31744xf32, #tpu.memory_space<hbm>> -> memref<31744xf32, #tpu.memory_space<hbm>>
      tpu.wait_dma2 semaphore(%run_scoped3A : memref<!tpu.dma_semaphore, #tpu.memory_space<semaphore_mem>>) src(%dma_wait3A_22 : memref<31744xf32, #tpu.memory_space<hbm>>) dst(%arg7 : memref<31744xf32, #tpu.memory_space<vmem>>)
      tpu.yield
    }) : () -> ()
    %broadcast_in_dim3A_6 = arith.constant 1 : i32
    %broadcast_in_dim3A_7 = vector.broadcast %broadcast_in_dim3A_6 : i32 to vector<16xi32>
    %scan3A_8 = arith.constant 0 : i32
    %scan3A_9 = arith.constant 62 : i32
    %scan3A_10 = arith.addi %scan3A_8, %scan3A_9 : i32
    %scan3A_11 = arith.constant 1 : i32
    scf.for %scan3A_13 = %scan3A_8 to %scan3A_10 step %scan3A_11  : i32 {
      %mul3A_14 = arith.constant 512 : i32
      %mul3A_15 = arith.muli %scan3A_13, %mul3A_14 : i32
      %add3A_16 = arith.constant 0 : i32
      %add3A_17 = arith.addi %mul3A_15, %add3A_16 : i32
      %get3A = arith.index_cast %add3A_17 : i32 to index
      %get3A_18 = tpu.vector_load %arg7[%get3A] {strides = array<i32>} : memref<31744xf32, #tpu.memory_space<vmem>>, vector<16xf32>,
      %bitcast3A = vector.bitcast %get3A_18 : vector<16xf32> to vector<16xi32>
      %and3A = arith.andi %bitcast3A, %broadcast_in_dim3A_7 : vector<16xi32>
      %mul3A_19 = arith.constant 6.553600e+04 : f32
      %mul3A_20 = vector.broadcast %mul3A_19 : f32 to vector<16xf32>
      %mul3A_21 = arith.mulf %get3A_18, %mul3A_20 : vector<16xf32>
      %convert_element_type3A = arith.fptosi %mul3A_21 : vector<16xf32> to vector<16xi32>
      %gather3A = tpu.vector_load_idx %arg5[%convert_element_type3A] : memref<65792xi32, #tpu.memory_space<vmem>>[vector<16xi32>], vector<16xi32>,
      %convert_element_type3A_22 = arith.sitofp %and3A : vector<16xi32> to vector<16xf32>
      %sub3A = arith.subf %convert_element_type3A_22, %get3A_18 : vector<16xf32>
      tpu.vector_store_idx %arg6[%gather3A], %sub3A {add = true} : memref<20480xf32, #tpu.memory_space<vmem>>[vector<16xi32>], vector<16xf32>,
      %mul3A_23 = arith.constant 512 : i32
      %mul3A_24 = arith.muli %scan3A_13, %mul3A_23 : i32
      %add3A_25 = arith.constant 16 : i32
      %add3A_26 = arith.addi %mul3A_24, %add3A_25 : i32
      %get3A_27 = arith.index_cast %add3A_26 : i32 to index
      %get3A_28 = tpu.vector_load %arg7[%get3A_27] {strides = array<i32>} : memref<31744xf32, #tpu.memory_space<vmem>>, vector<16xf32>,
      %bitcast3A_29 = vector.bitcast %get3A_28 : vector<16xf32> to vector<16xi32>
      %and3A_30 = arith.andi %bitcast3A_29, %broadcast_in_dim3A_7 : vector<16xi32>
      %mul3A_31 = arith.constant 6.553600e+04 : f32
      %mul3A_32 = vector.broadcast %mul3A_31 : f32 to vector<16xf32>
      %mul3A_33 = arith.mulf %get3A_28, %mul3A_32 : vector<16xf32>
      %convert_element_type3A_34 = arith.fptosi %mul3A_33 : vector<16xf32> to vector<16xi32>
      %gather3A_35 = tpu.vector_load_idx %arg5[%convert_element_type3A_34] : memref<65792xi32, #tpu.memory_space<vmem>>[vector<16xi32>], vector<16xi32>,
      %convert_element_type3A_36 = arith.sitofp %and3A_30 : vector<16xi32> to vector<16xf32>
      %sub3A_37 = arith.subf %convert_element_type3A_36, %get3A_28 : vector<16xf32>
      tpu.vector_store_idx %arg6[%gather3A_35], %sub3A_37 {add = true} : memref<20480xf32, #tpu.memory_space<vmem>>[vector<16xi32>], vector<16xf32>,
      %mul3A_38 = arith.constant 512 : i32
      %mul3A_39 = arith.muli %scan3A_13, %mul3A_38 : i32
      %add3A_40 = arith.constant 32 : i32
      %add3A_41 = arith.addi %mul3A_39, %add3A_40 : i32
      %get3A_42 = arith.index_cast %add3A_41 : i32 to index
      %get3A_43 = tpu.vector_load %arg7[%get3A_42] {strides = array<i32>} : memref<31744xf32, #tpu.memory_space<vmem>>, vector<16xf32>,
      %bitcast3A_44 = vector.bitcast %get3A_43 : vector<16xf32> to vector<16xi32>
      %and3A_45 = arith.andi %bitcast3A_44, %broadcast_in_dim3A_7 : vector<16xi32>
      %mul3A_46 = arith.constant 6.553600e+04 : f32
      %mul3A_47 = vector.broadcast %mul3A_46 : f32 to vector<16xf32>
      %mul3A_48 = arith.mulf %get3A_43, %mul3A_47 : vector<16xf32>
      %convert_element_type3A_49 = arith.fptosi %mul3A_48 : vector<16xf32> to vector<16xi32>
      %gather3A_50 = tpu.vector_load_idx %arg5[%convert_element_type3A_49] : memref<65792xi32, #tpu.memory_space<vmem>>[vector<16xi32>], vector<16xi32>,
      %convert_element_type3A_51 = arith.sitofp %and3A_45 : vector<16xi32> to vector<16xf32>
      %sub3A_52 = arith.subf %convert_element_type3A_51, %get3A_43 : vector<16xf32>
      tpu.vector_store_idx %arg6[%gather3A_50], %sub3A_52 {add = true} : memref<20480xf32, #tpu.memory_space<vmem>>[vector<16xi32>], vector<16xf32>,
      %mul3A_53 = arith.constant 512 : i32
      %mul3A_54 = arith.muli %scan3A_13, %mul3A_53 : i32
      %add3A_55 = arith.constant 48 : i32
      %add3A_56 = arith.addi %mul3A_54, %add3A_55 : i32
      %get3A_57 = arith.index_cast %add3A_56 : i32 to index
      %get3A_58 = tpu.vector_load %arg7[%get3A_57] {strides = array<i32>} : memref<31744xf32, #tpu.memory_space<vmem>>, vector<16xf32>,
      %bitcast3A_59 = vector.bitcast %get3A_58 : vector<16xf32> to vector<16xi32>
      %and3A_60 = arith.andi %bitcast3A_59, %broadcast_in_dim3A_7 : vector<16xi32>
      %mul3A_61 = arith.constant 6.553600e+04 : f32
      %mul3A_62 = vector.broadcast %mul3A_61 : f32 to vector<16xf32>
      %mul3A_63 = arith.mulf %get3A_58, %mul3A_62 : vector<16xf32>
      %convert_element_type3A_64 = arith.fptosi %mul3A_63 : vector<16xf32> to vector<16xi32>
      %gather3A_65 = tpu.vector_load_idx %arg5[%convert_element_type3A_64] : memref<65792xi32, #tpu.memory_space<vmem>>[vector<16xi32>], vector<16xi32>,
      %convert_element_type3A_66 = arith.sitofp %and3A_60 : vector<16xi32> to vector<16xf32>
      %sub3A_67 = arith.subf %convert_element_type3A_66, %get3A_58 : vector<16xf32>
      tpu.vector_store_idx %arg6[%gather3A_65], %sub3A_67 {add = true} : memref<20480xf32, #tpu.memory_space<vmem>>[vector<16xi32>], vector<16xf32>,
      %mul3A_68 = arith.constant 512 : i32
      %mul3A_69 = arith.muli %scan3A_13, %mul3A_68 : i32
      %add3A_70 = arith.constant 64 : i32
      %add3A_71 = arith.addi %mul3A_69, %add3A_70 : i32
      %get3A_72 = arith.index_cast %add3A_71 : i32 to index
      %get3A_73 = tpu.vector_load %arg7[%get3A_72] {strides = array<i32>} : memref<31744xf32, #tpu.memory_space<vmem>>, vector<16xf32>,
      %bitcast3A_74 = vector.bitcast %get3A_73 : vector<16xf32> to vector<16xi32>
      %and3A_75 = arith.andi %bitcast3A_74, %broadcast_in_dim3A_7 : vector<16xi32>
      %mul3A_76 = arith.constant 6.553600e+04 : f32
      %mul3A_77 = vector.broadcast %mul3A_76 : f32 to vector<16xf32>
      %mul3A_78 = arith.mulf %get3A_73, %mul3A_77 : vector<16xf32>
      %convert_element_type3A_79 = arith.fptosi %mul3A_78 : vector<16xf32> to vector<16xi32>
      %gather3A_80 = tpu.vector_load_idx %arg5[%convert_element_type3A_79] : memref<65792xi32, #tpu.memory_space<vmem>>[vector<16xi32>], vector<16xi32>,
      %convert_element_type3A_81 = arith.sitofp %and3A_75 : vector<16xi32> to vector<16xf32>
      %sub3A_82 = arith.subf %convert_element_type3A_81, %get3A_73 : vector<16xf32>
      tpu.vector_store_idx %arg6[%gather3A_80], %sub3A_82 {add = true} : memref<20480xf32, #tpu.memory_space<vmem>>[vector<16xi32>], vector<16xf32>,
      %mul3A_83 = arith.constant 512 : i32
      %mul3A_84 = arith.muli %scan3A_13, %mul3A_83 : i32
      %add3A_85 = arith.constant 80 : i32
      %add3A_86 = arith.addi %mul3A_84, %add3A_85 : i32
      %get3A_87 = arith.index_cast %add3A_86 : i32 to index
      %get3A_88 = tpu.vector_load %arg7[%get3A_87] {strides = array<i32>} : memref<31744xf32, #tpu.memory_space<vmem>>, vector<16xf32>,
      %bitcast3A_89 = vector.bitcast %get3A_88 : vector<16xf32> to vector<16xi32>
      %and3A_90 = arith.andi %bitcast3A_89, %broadcast_in_dim3A_7 : vector<16xi32>
      %mul3A_91 = arith.constant 6.553600e+04 : f32
      %mul3A_92 = vector.broadcast %mul3A_91 : f32 to vector<16xf32>
      %mul3A_93 = arith.mulf %get3A_88, %mul3A_92 : vector<16xf32>
      %convert_element_type3A_94 = arith.fptosi %mul3A_93 : vector<16xf32> to vector<16xi32>
      %gather3A_95 = tpu.vector_load_idx %arg5[%convert_element_type3A_94] : memref<65792xi32, #tpu.memory_space<vmem>>[vector<16xi32>], vector<16xi32>,
      %convert_element_type3A_96 = arith.sitofp %and3A_90 : vector<16xi32> to vector<16xf32>
      %sub3A_97 = arith.subf %convert_element_type3A_96, %get3A_88 : vector<16xf32>
      tpu.vector_store_idx %arg6[%gather3A_95], %sub3A_97 {add = true} : memref<20480xf32, #tpu.memory_space<vmem>>[vector<16xi32>], vector<16xf32>,
      %mul3A_98 = arith.constant 512 : i32
      %mul3A_99 = arith.muli %scan3A_13, %mul3A_98 : i32
      %add3A_100 = arith.constant 96 : i32
      %add3A_101 = arith.addi %mul3A_99, %add3A_100 : i32
      %get3A_102 = arith.index_cast %add3A_101 : i32 to index
      %get3A_103 = tpu.vector_load %arg7[%get3A_102] {strides = array<i32>} : memref<31744xf32, #tpu.memory_space<vmem>>, vector<16xf32>,
      %bitcast3A_104 = vector.bitcast %get3A_103 : vector<16xf32> to vector<16xi32>
      %and3A_105 = arith.andi %bitcast3A_104, %broadcast_in_dim3A_7 : vector<16xi32>
      %mul3A_106 = arith.constant 6.553600e+04 : f32
      %mul3A_107 = vector.broadcast %mul3A_106 : f32 to vector<16xf32>
      %mul3A_108 = arith.mulf %get3A_103, %mul3A_107 : vector<16xf32>
      %convert_element_type3A_109 = arith.fptosi %mul3A_108 : vector<16xf32> to vector<16xi32>
      %gather3A_110 = tpu.vector_load_idx %arg5[%convert_element_type3A_109] : memref<65792xi32, #tpu.memory_space<vmem>>[vector<16xi32>], vector<16xi32>,
      %convert_element_type3A_111 = arith.sitofp %and3A_105 : vector<16xi32> to vector<16xf32>
      %sub3A_112 = arith.subf %convert_element_type3A_111, %get3A_103 : vector<16xf32>
      tpu.vector_store_idx %arg6[%gather3A_110], %sub3A_112 {add = true} : memref<20480xf32, #tpu.memory_space<vmem>>[vector<16xi32>], vector<16xf32>,
      %mul3A_113 = arith.constant 512 : i32
      %mul3A_114 = arith.muli %scan3A_13, %mul3A_113 : i32
      %add3A_115 = arith.constant 112 : i32
      %add3A_116 = arith.addi %mul3A_114, %add3A_115 : i32
      %get3A_117 = arith.index_cast %add3A_116 : i32 to index
      %get3A_118 = tpu.vector_load %arg7[%get3A_117] {strides = array<i32>} : memref<31744xf32, #tpu.memory_space<vmem>>, vector<16xf32>,
      %bitcast3A_119 = vector.bitcast %get3A_118 : vector<16xf32> to vector<16xi32>
      %and3A_120 = arith.andi %bitcast3A_119, %broadcast_in_dim3A_7 : vector<16xi32>
      %mul3A_121 = arith.constant 6.553600e+04 : f32
      %mul3A_122 = vector.broadcast %mul3A_121 : f32 to vector<16xf32>
      %mul3A_123 = arith.mulf %get3A_118, %mul3A_122 : vector<16xf32>
      %convert_element_type3A_124 = arith.fptosi %mul3A_123 : vector<16xf32> to vector<16xi32>
      %gather3A_125 = tpu.vector_load_idx %arg5[%convert_element_type3A_124] : memref<65792xi32, #tpu.memory_space<vmem>>[vector<16xi32>], vector<16xi32>,
      %convert_element_type3A_126 = arith.sitofp %and3A_120 : vector<16xi32> to vector<16xf32>
      %sub3A_127 = arith.subf %convert_element_type3A_126, %get3A_118 : vector<16xf32>
      tpu.vector_store_idx %arg6[%gather3A_125], %sub3A_127 {add = true} : memref<20480xf32, #tpu.memory_space<vmem>>[vector<16xi32>], vector<16xf32>,
      %mul3A_128 = arith.constant 512 : i32
      %mul3A_129 = arith.muli %scan3A_13, %mul3A_128 : i32
      %add3A_130 = arith.constant 128 : i32
      %add3A_131 = arith.addi %mul3A_129, %add3A_130 : i32
      %get3A_132 = arith.index_cast %add3A_131 : i32 to index
      %get3A_133 = tpu.vector_load %arg7[%get3A_132] {strides = array<i32>} : memref<31744xf32, #tpu.memory_space<vmem>>, vector<16xf32>,
      %bitcast3A_134 = vector.bitcast %get3A_133 : vector<16xf32> to vector<16xi32>
      %and3A_135 = arith.andi %bitcast3A_134, %broadcast_in_dim3A_7 : vector<16xi32>
      %mul3A_136 = arith.constant 6.553600e+04 : f32
      %mul3A_137 = vector.broadcast %mul3A_136 : f32 to vector<16xf32>
      %mul3A_138 = arith.mulf %get3A_133, %mul3A_137 : vector<16xf32>
      %convert_element_type3A_139 = arith.fptosi %mul3A_138 : vector<16xf32> to vector<16xi32>
      %gather3A_140 = tpu.vector_load_idx %arg5[%convert_element_type3A_139] : memref<65792xi32, #tpu.memory_space<vmem>>[vector<16xi32>], vector<16xi32>,
      %convert_element_type3A_141 = arith.sitofp %and3A_135 : vector<16xi32> to vector<16xf32>
      %sub3A_142 = arith.subf %convert_element_type3A_141, %get3A_133 : vector<16xf32>
      tpu.vector_store_idx %arg6[%gather3A_140], %sub3A_142 {add = true} : memref<20480xf32, #tpu.memory_space<vmem>>[vector<16xi32>], vector<16xf32>,
      %mul3A_143 = arith.constant 512 : i32
      %mul3A_144 = arith.muli %scan3A_13, %mul3A_143 : i32
      %add3A_145 = arith.constant 144 : i32
      %add3A_146 = arith.addi %mul3A_144, %add3A_145 : i32
      %get3A_147 = arith.index_cast %add3A_146 : i32 to index
      %get3A_148 = tpu.vector_load %arg7[%get3A_147] {strides = array<i32>} : memref<31744xf32, #tpu.memory_space<vmem>>, vector<16xf32>,
      %bitcast3A_149 = vector.bitcast %get3A_148 : vector<16xf32> to vector<16xi32>
      %and3A_150 = arith.andi %bitcast3A_149, %broadcast_in_dim3A_7 : vector<16xi32>
      %mul3A_151 = arith.constant 6.553600e+04 : f32
      %mul3A_152 = vector.broadcast %mul3A_151 : f32 to vector<16xf32>
      %mul3A_153 = arith.mulf %get3A_148, %mul3A_152 : vector<16xf32>
      %convert_element_type3A_154 = arith.fptosi %mul3A_153 : vector<16xf32> to vector<16xi32>
      %gather3A_155 = tpu.vector_load_idx %arg5[%convert_element_type3A_154] : memref<65792xi32, #tpu.memory_space<vmem>>[vector<16xi32>], vector<16xi32>,
      %convert_element_type3A_156 = arith.sitofp %and3A_150 : vector<16xi32> to vector<16xf32>
      %sub3A_157 = arith.subf %convert_element_type3A_156, %get3A_148 : vector<16xf32>
      tpu.vector_store_idx %arg6[%gather3A_155], %sub3A_157 {add = true} : memref<20480xf32, #tpu.memory_space<vmem>>[vector<16xi32>], vector<16xf32>,
      %mul3A_158 = arith.constant 512 : i32
      %mul3A_159 = arith.muli %scan3A_13, %mul3A_158 : i32
      %add3A_160 = arith.constant 160 : i32
      %add3A_161 = arith.addi %mul3A_159, %add3A_160 : i32
      %get3A_162 = arith.index_cast %add3A_161 : i32 to index
      %get3A_163 = tpu.vector_load %arg7[%get3A_162] {strides = array<i32>} : memref<31744xf32, #tpu.memory_space<vmem>>, vector<16xf32>,
      %bitcast3A_164 = vector.bitcast %get3A_163 : vector<16xf32> to vector<16xi32>
      %and3A_165 = arith.andi %bitcast3A_164, %broadcast_in_dim3A_7 : vector<16xi32>
      %mul3A_166 = arith.constant 6.553600e+04 : f32
      %mul3A_167 = vector.broadcast %mul3A_166 : f32 to vector<16xf32>
      %mul3A_168 = arith.mulf %get3A_163, %mul3A_167 : vector<16xf32>
      %convert_element_type3A_169 = arith.fptosi %mul3A_168 : vector<16xf32> to vector<16xi32>
      %gather3A_170 = tpu.vector_load_idx %arg5[%convert_element_type3A_169] : memref<65792xi32, #tpu.memory_space<vmem>>[vector<16xi32>], vector<16xi32>,
      %convert_element_type3A_171 = arith.sitofp %and3A_165 : vector<16xi32> to vector<16xf32>
      %sub3A_172 = arith.subf %convert_element_type3A_171, %get3A_163 : vector<16xf32>
      tpu.vector_store_idx %arg6[%gather3A_170], %sub3A_172 {add = true} : memref<20480xf32, #tpu.memory_space<vmem>>[vector<16xi32>], vector<16xf32>,
      %mul3A_173 = arith.constant 512 : i32
      %mul3A_174 = arith.muli %scan3A_13, %mul3A_173 : i32
      %add3A_175 = arith.constant 176 : i32
      %add3A_176 = arith.addi %mul3A_174, %add3A_175 : i32
      %get3A_177 = arith.index_cast %add3A_176 : i32 to index
      %get3A_178 = tpu.vector_load %arg7[%get3A_177] {strides = array<i32>} : memref<31744xf32, #tpu.memory_space<vmem>>, vector<16xf32>,
      %bitcast3A_179 = vector.bitcast %get3A_178 : vector<16xf32> to vector<16xi32>
      %and3A_180 = arith.andi %bitcast3A_179, %broadcast_in_dim3A_7 : vector<16xi32>
      %mul3A_181 = arith.constant 6.553600e+04 : f32
      %mul3A_182 = vector.broadcast %mul3A_181 : f32 to vector<16xf32>
      %mul3A_183 = arith.mulf %get3A_178, %mul3A_182 : vector<16xf32>
      %convert_element_type3A_184 = arith.fptosi %mul3A_183 : vector<16xf32> to vector<16xi32>
      %gather3A_185 = tpu.vector_load_idx %arg5[%convert_element_type3A_184] : memref<65792xi32, #tpu.memory_space<vmem>>[vector<16xi32>], vector<16xi32>,
      %convert_element_type3A_186 = arith.sitofp %and3A_180 : vector<16xi32> to vector<16xf32>
      %sub3A_187 = arith.subf %convert_element_type3A_186, %get3A_178 : vector<16xf32>
      tpu.vector_store_idx %arg6[%gather3A_185], %sub3A_187 {add = true} : memref<20480xf32, #tpu.memory_space<vmem>>[vector<16xi32>], vector<16xf32>,
      %mul3A_188 = arith.constant 512 : i32
      %mul3A_189 = arith.muli %scan3A_13, %mul3A_188 : i32
      %add3A_190 = arith.constant 192 : i32
      %add3A_191 = arith.addi %mul3A_189, %add3A_190 : i32
      %get3A_192 = arith.index_cast %add3A_191 : i32 to index
      %get3A_193 = tpu.vector_load %arg7[%get3A_192] {strides = array<i32>} : memref<31744xf32, #tpu.memory_space<vmem>>, vector<16xf32>,
      %bitcast3A_194 = vector.bitcast %get3A_193 : vector<16xf32> to vector<16xi32>
      %and3A_195 = arith.andi %bitcast3A_194, %broadcast_in_dim3A_7 : vector<16xi32>
      %mul3A_196 = arith.constant 6.553600e+04 : f32
      %mul3A_197 = vector.broadcast %mul3A_196 : f32 to vector<16xf32>
      %mul3A_198 = arith.mulf %get3A_193, %mul3A_197 : vector<16xf32>
      %convert_element_type3A_199 = arith.fptosi %mul3A_198 : vector<16xf32> to vector<16xi32>
      %gather3A_200 = tpu.vector_load_idx %arg5[%convert_element_type3A_199] : memref<65792xi32, #tpu.memory_space<vmem>>[vector<16xi32>], vector<16xi32>,
      %convert_element_type3A_201 = arith.sitofp %and3A_195 : vector<16xi32> to vector<16xf32>
      %sub3A_202 = arith.subf %convert_element_type3A_201, %get3A_193 : vector<16xf32>
      tpu.vector_store_idx %arg6[%gather3A_200], %sub3A_202 {add = true} : memref<20480xf32, #tpu.memory_space<vmem>>[vector<16xi32>], vector<16xf32>,
      %mul3A_203 = arith.constant 512 : i32
      %mul3A_204 = arith.muli %scan3A_13, %mul3A_203 : i32
      %add3A_205 = arith.constant 208 : i32
      %add3A_206 = arith.addi %mul3A_204, %add3A_205 : i32
      %get3A_207 = arith.index_cast %add3A_206 : i32 to index
      %get3A_208 = tpu.vector_load %arg7[%get3A_207] {strides = array<i32>} : memref<31744xf32, #tpu.memory_space<vmem>>, vector<16xf32>,
      %bitcast3A_209 = vector.bitcast %get3A_208 : vector<16xf32> to vector<16xi32>
      %and3A_210 = arith.andi %bitcast3A_209, %broadcast_in_dim3A_7 : vector<16xi32>
      %mul3A_211 = arith.constant 6.553600e+04 : f32
      %mul3A_212 = vector.broadcast %mul3A_211 : f32 to vector<16xf32>
      %mul3A_213 = arith.mulf %get3A_208, %mul3A_212 : vector<16xf32>
      %convert_element_type3A_214 = arith.fptosi %mul3A_213 : vector<16xf32> to vector<16xi32>
      %gather3A_215 = tpu.vector_load_idx %arg5[%convert_element_type3A_214] : memref<65792xi32, #tpu.memory_space<vmem>>[vector<16xi32>], vector<16xi32>,
      %convert_element_type3A_216 = arith.sitofp %and3A_210 : vector<16xi32> to vector<16xf32>
      %sub3A_217 = arith.subf %convert_element_type3A_216, %get3A_208 : vector<16xf32>
      tpu.vector_store_idx %arg6[%gather3A_215], %sub3A_217 {add = true} : memref<20480xf32, #tpu.memory_space<vmem>>[vector<16xi32>], vector<16xf32>,
      %mul3A_218 = arith.constant 512 : i32
      %mul3A_219 = arith.muli %scan3A_13, %mul3A_218 : i32
      %add3A_220 = arith.constant 224 : i32
      %add3A_221 = arith.addi %mul3A_219, %add3A_220 : i32
      %get3A_222 = arith.index_cast %add3A_221 : i32 to index
      %get3A_223 = tpu.vector_load %arg7[%get3A_222] {strides = array<i32>} : memref<31744xf32, #tpu.memory_space<vmem>>, vector<16xf32>,
      %bitcast3A_224 = vector.bitcast %get3A_223 : vector<16xf32> to vector<16xi32>
      %and3A_225 = arith.andi %bitcast3A_224, %broadcast_in_dim3A_7 : vector<16xi32>
      %mul3A_226 = arith.constant 6.553600e+04 : f32
      %mul3A_227 = vector.broadcast %mul3A_226 : f32 to vector<16xf32>
      %mul3A_228 = arith.mulf %get3A_223, %mul3A_227 : vector<16xf32>
      %convert_element_type3A_229 = arith.fptosi %mul3A_228 : vector<16xf32> to vector<16xi32>
      %gather3A_230 = tpu.vector_load_idx %arg5[%convert_element_type3A_229] : memref<65792xi32, #tpu.memory_space<vmem>>[vector<16xi32>], vector<16xi32>,
      %convert_element_type3A_231 = arith.sitofp %and3A_225 : vector<16xi32> to vector<16xf32>
      %sub3A_232 = arith.subf %convert_element_type3A_231, %get3A_223 : vector<16xf32>
      tpu.vector_store_idx %arg6[%gather3A_230], %sub3A_232 {add = true} : memref<20480xf32, #tpu.memory_space<vmem>>[vector<16xi32>], vector<16xf32>,
      %mul3A_233 = arith.constant 512 : i32
      %mul3A_234 = arith.muli %scan3A_13, %mul3A_233 : i32
      %add3A_235 = arith.constant 240 : i32
      %add3A_236 = arith.addi %mul3A_234, %add3A_235 : i32
      %get3A_237 = arith.index_cast %add3A_236 : i32 to index
      %get3A_238 = tpu.vector_load %arg7[%get3A_237] {strides = array<i32>} : memref<31744xf32, #tpu.memory_space<vmem>>, vector<16xf32>,
      %bitcast3A_239 = vector.bitcast %get3A_238 : vector<16xf32> to vector<16xi32>
      %and3A_240 = arith.andi %bitcast3A_239, %broadcast_in_dim3A_7 : vector<16xi32>
      %mul3A_241 = arith.constant 6.553600e+04 : f32
      %mul3A_242 = vector.broadcast %mul3A_241 : f32 to vector<16xf32>
      %mul3A_243 = arith.mulf %get3A_238, %mul3A_242 : vector<16xf32>
      %convert_element_type3A_244 = arith.fptosi %mul3A_243 : vector<16xf32> to vector<16xi32>
      %gather3A_245 = tpu.vector_load_idx %arg5[%convert_element_type3A_244] : memref<65792xi32, #tpu.memory_space<vmem>>[vector<16xi32>], vector<16xi32>,
      %convert_element_type3A_246 = arith.sitofp %and3A_240 : vector<16xi32> to vector<16xf32>
      %sub3A_247 = arith.subf %convert_element_type3A_246, %get3A_238 : vector<16xf32>
      tpu.vector_store_idx %arg6[%gather3A_245], %sub3A_247 {add = true} : memref<20480xf32, #tpu.memory_space<vmem>>[vector<16xi32>], vector<16xf32>,
      %mul3A_248 = arith.constant 512 : i32
      %mul3A_249 = arith.muli %scan3A_13, %mul3A_248 : i32
      %add3A_250 = arith.constant 256 : i32
      %add3A_251 = arith.addi %mul3A_249, %add3A_250 : i32
      %get3A_252 = arith.index_cast %add3A_251 : i32 to index
      %get3A_253 = tpu.vector_load %arg7[%get3A_252] {strides = array<i32>} : memref<31744xf32, #tpu.memory_space<vmem>>, vector<16xf32>,
      %bitcast3A_254 = vector.bitcast %get3A_253 : vector<16xf32> to vector<16xi32>
      %and3A_255 = arith.andi %bitcast3A_254, %broadcast_in_dim3A_7 : vector<16xi32>
      %mul3A_256 = arith.constant 6.553600e+04 : f32
      %mul3A_257 = vector.broadcast %mul3A_256 : f32 to vector<16xf32>
      %mul3A_258 = arith.mulf %get3A_253, %mul3A_257 : vector<16xf32>
      %convert_element_type3A_259 = arith.fptosi %mul3A_258 : vector<16xf32> to vector<16xi32>
      %gather3A_260 = tpu.vector_load_idx %arg5[%convert_element_type3A_259] : memref<65792xi32, #tpu.memory_space<vmem>>[vector<16xi32>], vector<16xi32>,
      %convert_element_type3A_261 = arith.sitofp %and3A_255 : vector<16xi32> to vector<16xf32>
      %sub3A_262 = arith.subf %convert_element_type3A_261, %get3A_253 : vector<16xf32>
      tpu.vector_store_idx %arg6[%gather3A_260], %sub3A_262 {add = true} : memref<20480xf32, #tpu.memory_space<vmem>>[vector<16xi32>], vector<16xf32>,
      %mul3A_263 = arith.constant 512 : i32
      %mul3A_264 = arith.muli %scan3A_13, %mul3A_263 : i32
      %add3A_265 = arith.constant 272 : i32
      %add3A_266 = arith.addi %mul3A_264, %add3A_265 : i32
      %get3A_267 = arith.index_cast %add3A_266 : i32 to index
      %get3A_268 = tpu.vector_load %arg7[%get3A_267] {strides = array<i32>} : memref<31744xf32, #tpu.memory_space<vmem>>, vector<16xf32>,
      %bitcast3A_269 = vector.bitcast %get3A_268 : vector<16xf32> to vector<16xi32>
      %and3A_270 = arith.andi %bitcast3A_269, %broadcast_in_dim3A_7 : vector<16xi32>
      %mul3A_271 = arith.constant 6.553600e+04 : f32
      %mul3A_272 = vector.broadcast %mul3A_271 : f32 to vector<16xf32>
      %mul3A_273 = arith.mulf %get3A_268, %mul3A_272 : vector<16xf32>
      %convert_element_type3A_274 = arith.fptosi %mul3A_273 : vector<16xf32> to vector<16xi32>
      %gather3A_275 = tpu.vector_load_idx %arg5[%convert_element_type3A_274] : memref<65792xi32, #tpu.memory_space<vmem>>[vector<16xi32>], vector<16xi32>,
      %convert_element_type3A_276 = arith.sitofp %and3A_270 : vector<16xi32> to vector<16xf32>
      %sub3A_277 = arith.subf %convert_element_type3A_276, %get3A_268 : vector<16xf32>
      tpu.vector_store_idx %arg6[%gather3A_275], %sub3A_277 {add = true} : memref<20480xf32, #tpu.memory_space<vmem>>[vector<16xi32>], vector<16xf32>,
      %mul3A_278 = arith.constant 512 : i32
      %mul3A_279 = arith.muli %scan3A_13, %mul3A_278 : i32
      %add3A_280 = arith.constant 288 : i32
      %add3A_281 = arith.addi %mul3A_279, %add3A_280 : i32
      %get3A_282 = arith.index_cast %add3A_281 : i32 to index
      %get3A_283 = tpu.vector_load %arg7[%get3A_282] {strides = array<i32>} : memref<31744xf32, #tpu.memory_space<vmem>>, vector<16xf32>,
      %bitcast3A_284 = vector.bitcast %get3A_283 : vector<16xf32> to vector<16xi32>
      %and3A_285 = arith.andi %bitcast3A_284, %broadcast_in_dim3A_7 : vector<16xi32>
      %mul3A_286 = arith.constant 6.553600e+04 : f32
      %mul3A_287 = vector.broadcast %mul3A_286 : f32 to vector<16xf32>
      %mul3A_288 = arith.mulf %get3A_283, %mul3A_287 : vector<16xf32>
      %convert_element_type3A_289 = arith.fptosi %mul3A_288 : vector<16xf32> to vector<16xi32>
      %gather3A_290 = tpu.vector_load_idx %arg5[%convert_element_type3A_289] : memref<65792xi32, #tpu.memory_space<vmem>>[vector<16xi32>], vector<16xi32>,
      %convert_element_type3A_291 = arith.sitofp %and3A_285 : vector<16xi32> to vector<16xf32>
      %sub3A_292 = arith.subf %convert_element_type3A_291, %get3A_283 : vector<16xf32>
      tpu.vector_store_idx %arg6[%gather3A_290], %sub3A_292 {add = true} : memref<20480xf32, #tpu.memory_space<vmem>>[vector<16xi32>], vector<16xf32>,
      %mul3A_293 = arith.constant 512 : i32
      %mul3A_294 = arith.muli %scan3A_13, %mul3A_293 : i32
      %add3A_295 = arith.constant 304 : i32
      %add3A_296 = arith.addi %mul3A_294, %add3A_295 : i32
      %get3A_297 = arith.index_cast %add3A_296 : i32 to index
      %get3A_298 = tpu.vector_load %arg7[%get3A_297] {strides = array<i32>} : memref<31744xf32, #tpu.memory_space<vmem>>, vector<16xf32>,
      %bitcast3A_299 = vector.bitcast %get3A_298 : vector<16xf32> to vector<16xi32>
      %and3A_300 = arith.andi %bitcast3A_299, %broadcast_in_dim3A_7 : vector<16xi32>
      %mul3A_301 = arith.constant 6.553600e+04 : f32
      %mul3A_302 = vector.broadcast %mul3A_301 : f32 to vector<16xf32>
      %mul3A_303 = arith.mulf %get3A_298, %mul3A_302 : vector<16xf32>
      %convert_element_type3A_304 = arith.fptosi %mul3A_303 : vector<16xf32> to vector<16xi32>
      %gather3A_305 = tpu.vector_load_idx %arg5[%convert_element_type3A_304] : memref<65792xi32, #tpu.memory_space<vmem>>[vector<16xi32>], vector<16xi32>,
      %convert_element_type3A_306 = arith.sitofp %and3A_300 : vector<16xi32> to vector<16xf32>
      %sub3A_307 = arith.subf %convert_element_type3A_306, %get3A_298 : vector<16xf32>
      tpu.vector_store_idx %arg6[%gather3A_305], %sub3A_307 {add = true} : memref<20480xf32, #tpu.memory_space<vmem>>[vector<16xi32>], vector<16xf32>,
      %mul3A_308 = arith.constant 512 : i32
      %mul3A_309 = arith.muli %scan3A_13, %mul3A_308 : i32
      %add3A_310 = arith.constant 320 : i32
      %add3A_311 = arith.addi %mul3A_309, %add3A_310 : i32
      %get3A_312 = arith.index_cast %add3A_311 : i32 to index
      %get3A_313 = tpu.vector_load %arg7[%get3A_312] {strides = array<i32>} : memref<31744xf32, #tpu.memory_space<vmem>>, vector<16xf32>,
      %bitcast3A_314 = vector.bitcast %get3A_313 : vector<16xf32> to vector<16xi32>
      %and3A_315 = arith.andi %bitcast3A_314, %broadcast_in_dim3A_7 : vector<16xi32>
      %mul3A_316 = arith.constant 6.553600e+04 : f32
      %mul3A_317 = vector.broadcast %mul3A_316 : f32 to vector<16xf32>
      %mul3A_318 = arith.mulf %get3A_313, %mul3A_317 : vector<16xf32>
      %convert_element_type3A_319 = arith.fptosi %mul3A_318 : vector<16xf32> to vector<16xi32>
      %gather3A_320 = tpu.vector_load_idx %arg5[%convert_element_type3A_319] : memref<65792xi32, #tpu.memory_space<vmem>>[vector<16xi32>], vector<16xi32>,
      %convert_element_type3A_321 = arith.sitofp %and3A_315 : vector<16xi32> to vector<16xf32>
      %sub3A_322 = arith.subf %convert_element_type3A_321, %get3A_313 : vector<16xf32>
      tpu.vector_store_idx %arg6[%gather3A_320], %sub3A_322 {add = true} : memref<20480xf32, #tpu.memory_space<vmem>>[vector<16xi32>], vector<16xf32>,
      %mul3A_323 = arith.constant 512 : i32
      %mul3A_324 = arith.muli %scan3A_13, %mul3A_323 : i32
      %add3A_325 = arith.constant 336 : i32
      %add3A_326 = arith.addi %mul3A_324, %add3A_325 : i32
      %get3A_327 = arith.index_cast %add3A_326 : i32 to index
      %get3A_328 = tpu.vector_load %arg7[%get3A_327] {strides = array<i32>} : memref<31744xf32, #tpu.memory_space<vmem>>, vector<16xf32>,
      %bitcast3A_329 = vector.bitcast %get3A_328 : vector<16xf32> to vector<16xi32>
      %and3A_330 = arith.andi %bitcast3A_329, %broadcast_in_dim3A_7 : vector<16xi32>
      %mul3A_331 = arith.constant 6.553600e+04 : f32
      %mul3A_332 = vector.broadcast %mul3A_331 : f32 to vector<16xf32>
      %mul3A_333 = arith.mulf %get3A_328, %mul3A_332 : vector<16xf32>
      %convert_element_type3A_334 = arith.fptosi %mul3A_333 : vector<16xf32> to vector<16xi32>
      %gather3A_335 = tpu.vector_load_idx %arg5[%convert_element_type3A_334] : memref<65792xi32, #tpu.memory_space<vmem>>[vector<16xi32>], vector<16xi32>,
      %convert_element_type3A_336 = arith.sitofp %and3A_330 : vector<16xi32> to vector<16xf32>
      %sub3A_337 = arith.subf %convert_element_type3A_336, %get3A_328 : vector<16xf32>
      tpu.vector_store_idx %arg6[%gather3A_335], %sub3A_337 {add = true} : memref<20480xf32, #tpu.memory_space<vmem>>[vector<16xi32>], vector<16xf32>,
      %mul3A_338 = arith.constant 512 : i32
      %mul3A_339 = arith.muli %scan3A_13, %mul3A_338 : i32
      %add3A_340 = arith.constant 352 : i32
      %add3A_341 = arith.addi %mul3A_339, %add3A_340 : i32
      %get3A_342 = arith.index_cast %add3A_341 : i32 to index
      %get3A_343 = tpu.vector_load %arg7[%get3A_342] {strides = array<i32>} : memref<31744xf32, #tpu.memory_space<vmem>>, vector<16xf32>,
      %bitcast3A_344 = vector.bitcast %get3A_343 : vector<16xf32> to vector<16xi32>
      %and3A_345 = arith.andi %bitcast3A_344, %broadcast_in_dim3A_7 : vector<16xi32>
      %mul3A_346 = arith.constant 6.553600e+04 : f32
      %mul3A_347 = vector.broadcast %mul3A_346 : f32 to vector<16xf32>
      %mul3A_348 = arith.mulf %get3A_343, %mul3A_347 : vector<16xf32>
      %convert_element_type3A_349 = arith.fptosi %mul3A_348 : vector<16xf32> to vector<16xi32>
      %gather3A_350 = tpu.vector_load_idx %arg5[%convert_element_type3A_349] : memref<65792xi32, #tpu.memory_space<vmem>>[vector<16xi32>], vector<16xi32>,
      %convert_element_type3A_351 = arith.sitofp %and3A_345 : vector<16xi32> to vector<16xf32>
      %sub3A_352 = arith.subf %convert_element_type3A_351, %get3A_343 : vector<16xf32>
      tpu.vector_store_idx %arg6[%gather3A_350], %sub3A_352 {add = true} : memref<20480xf32, #tpu.memory_space<vmem>>[vector<16xi32>], vector<16xf32>,
      %mul3A_353 = arith.constant 512 : i32
      %mul3A_354 = arith.muli %scan3A_13, %mul3A_353 : i32
      %add3A_355 = arith.constant 368 : i32
      %add3A_356 = arith.addi %mul3A_354, %add3A_355 : i32
      %get3A_357 = arith.index_cast %add3A_356 : i32 to index
      %get3A_358 = tpu.vector_load %arg7[%get3A_357] {strides = array<i32>} : memref<31744xf32, #tpu.memory_space<vmem>>, vector<16xf32>,
      %bitcast3A_359 = vector.bitcast %get3A_358 : vector<16xf32> to vector<16xi32>
      %and3A_360 = arith.andi %bitcast3A_359, %broadcast_in_dim3A_7 : vector<16xi32>
      %mul3A_361 = arith.constant 6.553600e+04 : f32
      %mul3A_362 = vector.broadcast %mul3A_361 : f32 to vector<16xf32>
      %mul3A_363 = arith.mulf %get3A_358, %mul3A_362 : vector<16xf32>
      %convert_element_type3A_364 = arith.fptosi %mul3A_363 : vector<16xf32> to vector<16xi32>
      %gather3A_365 = tpu.vector_load_idx %arg5[%convert_element_type3A_364] : memref<65792xi32, #tpu.memory_space<vmem>>[vector<16xi32>], vector<16xi32>,
      %convert_element_type3A_366 = arith.sitofp %and3A_360 : vector<16xi32> to vector<16xf32>
      %sub3A_367 = arith.subf %convert_element_type3A_366, %get3A_358 : vector<16xf32>
      tpu.vector_store_idx %arg6[%gather3A_365], %sub3A_367 {add = true} : memref<20480xf32, #tpu.memory_space<vmem>>[vector<16xi32>], vector<16xf32>,
      %mul3A_368 = arith.constant 512 : i32
      %mul3A_369 = arith.muli %scan3A_13, %mul3A_368 : i32
      %add3A_370 = arith.constant 384 : i32
      %add3A_371 = arith.addi %mul3A_369, %add3A_370 : i32
      %get3A_372 = arith.index_cast %add3A_371 : i32 to index
      %get3A_373 = tpu.vector_load %arg7[%get3A_372] {strides = array<i32>} : memref<31744xf32, #tpu.memory_space<vmem>>, vector<16xf32>,
      %bitcast3A_374 = vector.bitcast %get3A_373 : vector<16xf32> to vector<16xi32>
      %and3A_375 = arith.andi %bitcast3A_374, %broadcast_in_dim3A_7 : vector<16xi32>
      %mul3A_376 = arith.constant 6.553600e+04 : f32
      %mul3A_377 = vector.broadcast %mul3A_376 : f32 to vector<16xf32>
      %mul3A_378 = arith.mulf %get3A_373, %mul3A_377 : vector<16xf32>
      %convert_element_type3A_379 = arith.fptosi %mul3A_378 : vector<16xf32> to vector<16xi32>
      %gather3A_380 = tpu.vector_load_idx %arg5[%convert_element_type3A_379] : memref<65792xi32, #tpu.memory_space<vmem>>[vector<16xi32>], vector<16xi32>,
      %convert_element_type3A_381 = arith.sitofp %and3A_375 : vector<16xi32> to vector<16xf32>
      %sub3A_382 = arith.subf %convert_element_type3A_381, %get3A_373 : vector<16xf32>
      tpu.vector_store_idx %arg6[%gather3A_380], %sub3A_382 {add = true} : memref<20480xf32, #tpu.memory_space<vmem>>[vector<16xi32>], vector<16xf32>,
      %mul3A_383 = arith.constant 512 : i32
      %mul3A_384 = arith.muli %scan3A_13, %mul3A_383 : i32
      %add3A_385 = arith.constant 400 : i32
      %add3A_386 = arith.addi %mul3A_384, %add3A_385 : i32
      %get3A_387 = arith.index_cast %add3A_386 : i32 to index
      %get3A_388 = tpu.vector_load %arg7[%get3A_387] {strides = array<i32>} : memref<31744xf32, #tpu.memory_space<vmem>>, vector<16xf32>,
      %bitcast3A_389 = vector.bitcast %get3A_388 : vector<16xf32> to vector<16xi32>
      %and3A_390 = arith.andi %bitcast3A_389, %broadcast_in_dim3A_7 : vector<16xi32>
      %mul3A_391 = arith.constant 6.553600e+04 : f32
      %mul3A_392 = vector.broadcast %mul3A_391 : f32 to vector<16xf32>
      %mul3A_393 = arith.mulf %get3A_388, %mul3A_392 : vector<16xf32>
      %convert_element_type3A_394 = arith.fptosi %mul3A_393 : vector<16xf32> to vector<16xi32>
      %gather3A_395 = tpu.vector_load_idx %arg5[%convert_element_type3A_394] : memref<65792xi32, #tpu.memory_space<vmem>>[vector<16xi32>], vector<16xi32>,
      %convert_element_type3A_396 = arith.sitofp %and3A_390 : vector<16xi32> to vector<16xf32>
      %sub3A_397 = arith.subf %convert_element_type3A_396, %get3A_388 : vector<16xf32>
      tpu.vector_store_idx %arg6[%gather3A_395], %sub3A_397 {add = true} : memref<20480xf32, #tpu.memory_space<vmem>>[vector<16xi32>], vector<16xf32>,
      %mul3A_398 = arith.constant 512 : i32
      %mul3A_399 = arith.muli %scan3A_13, %mul3A_398 : i32
      %add3A_400 = arith.constant 416 : i32
      %add3A_401 = arith.addi %mul3A_399, %add3A_400 : i32
      %get3A_402 = arith.index_cast %add3A_401 : i32 to index
      %get3A_403 = tpu.vector_load %arg7[%get3A_402] {strides = array<i32>} : memref<31744xf32, #tpu.memory_space<vmem>>, vector<16xf32>,
      %bitcast3A_404 = vector.bitcast %get3A_403 : vector<16xf32> to vector<16xi32>
      %and3A_405 = arith.andi %bitcast3A_404, %broadcast_in_dim3A_7 : vector<16xi32>
      %mul3A_406 = arith.constant 6.553600e+04 : f32
      %mul3A_407 = vector.broadcast %mul3A_406 : f32 to vector<16xf32>
      %mul3A_408 = arith.mulf %get3A_403, %mul3A_407 : vector<16xf32>
      %convert_element_type3A_409 = arith.fptosi %mul3A_408 : vector<16xf32> to vector<16xi32>
      %gather3A_410 = tpu.vector_load_idx %arg5[%convert_element_type3A_409] : memref<65792xi32, #tpu.memory_space<vmem>>[vector<16xi32>], vector<16xi32>,
      %convert_element_type3A_411 = arith.sitofp %and3A_405 : vector<16xi32> to vector<16xf32>
      %sub3A_412 = arith.subf %convert_element_type3A_411, %get3A_403 : vector<16xf32>
      tpu.vector_store_idx %arg6[%gather3A_410], %sub3A_412 {add = true} : memref<20480xf32, #tpu.memory_space<vmem>>[vector<16xi32>], vector<16xf32>,
      %mul3A_413 = arith.constant 512 : i32
      %mul3A_414 = arith.muli %scan3A_13, %mul3A_413 : i32
      %add3A_415 = arith.constant 432 : i32
      %add3A_416 = arith.addi %mul3A_414, %add3A_415 : i32
      %get3A_417 = arith.index_cast %add3A_416 : i32 to index
      %get3A_418 = tpu.vector_load %arg7[%get3A_417] {strides = array<i32>} : memref<31744xf32, #tpu.memory_space<vmem>>, vector<16xf32>,
      %bitcast3A_419 = vector.bitcast %get3A_418 : vector<16xf32> to vector<16xi32>
      %and3A_420 = arith.andi %bitcast3A_419, %broadcast_in_dim3A_7 : vector<16xi32>
      %mul3A_421 = arith.constant 6.553600e+04 : f32
      %mul3A_422 = vector.broadcast %mul3A_421 : f32 to vector<16xf32>
      %mul3A_423 = arith.mulf %get3A_418, %mul3A_422 : vector<16xf32>
      %convert_element_type3A_424 = arith.fptosi %mul3A_423 : vector<16xf32> to vector<16xi32>
      %gather3A_425 = tpu.vector_load_idx %arg5[%convert_element_type3A_424] : memref<65792xi32, #tpu.memory_space<vmem>>[vector<16xi32>], vector<16xi32>,
      %convert_element_type3A_426 = arith.sitofp %and3A_420 : vector<16xi32> to vector<16xf32>
      %sub3A_427 = arith.subf %convert_element_type3A_426, %get3A_418 : vector<16xf32>
      tpu.vector_store_idx %arg6[%gather3A_425], %sub3A_427 {add = true} : memref<20480xf32, #tpu.memory_space<vmem>>[vector<16xi32>], vector<16xf32>,
      %mul3A_428 = arith.constant 512 : i32
      %mul3A_429 = arith.muli %scan3A_13, %mul3A_428 : i32
      %add3A_430 = arith.constant 448 : i32
      %add3A_431 = arith.addi %mul3A_429, %add3A_430 : i32
      %get3A_432 = arith.index_cast %add3A_431 : i32 to index
      %get3A_433 = tpu.vector_load %arg7[%get3A_432] {strides = array<i32>} : memref<31744xf32, #tpu.memory_space<vmem>>, vector<16xf32>,
      %bitcast3A_434 = vector.bitcast %get3A_433 : vector<16xf32> to vector<16xi32>
      %and3A_435 = arith.andi %bitcast3A_434, %broadcast_in_dim3A_7 : vector<16xi32>
      %mul3A_436 = arith.constant 6.553600e+04 : f32
      %mul3A_437 = vector.broadcast %mul3A_436 : f32 to vector<16xf32>
      %mul3A_438 = arith.mulf %get3A_433, %mul3A_437 : vector<16xf32>
      %convert_element_type3A_439 = arith.fptosi %mul3A_438 : vector<16xf32> to vector<16xi32>
      %gather3A_440 = tpu.vector_load_idx %arg5[%convert_element_type3A_439] : memref<65792xi32, #tpu.memory_space<vmem>>[vector<16xi32>], vector<16xi32>,
      %convert_element_type3A_441 = arith.sitofp %and3A_435 : vector<16xi32> to vector<16xf32>
      %sub3A_442 = arith.subf %convert_element_type3A_441, %get3A_433 : vector<16xf32>
      tpu.vector_store_idx %arg6[%gather3A_440], %sub3A_442 {add = true} : memref<20480xf32, #tpu.memory_space<vmem>>[vector<16xi32>], vector<16xf32>,
      %mul3A_443 = arith.constant 512 : i32
      %mul3A_444 = arith.muli %scan3A_13, %mul3A_443 : i32
      %add3A_445 = arith.constant 464 : i32
      %add3A_446 = arith.addi %mul3A_444, %add3A_445 : i32
      %get3A_447 = arith.index_cast %add3A_446 : i32 to index
      %get3A_448 = tpu.vector_load %arg7[%get3A_447] {strides = array<i32>} : memref<31744xf32, #tpu.memory_space<vmem>>, vector<16xf32>,
      %bitcast3A_449 = vector.bitcast %get3A_448 : vector<16xf32> to vector<16xi32>
      %and3A_450 = arith.andi %bitcast3A_449, %broadcast_in_dim3A_7 : vector<16xi32>
      %mul3A_451 = arith.constant 6.553600e+04 : f32
      %mul3A_452 = vector.broadcast %mul3A_451 : f32 to vector<16xf32>
      %mul3A_453 = arith.mulf %get3A_448, %mul3A_452 : vector<16xf32>
      %convert_element_type3A_454 = arith.fptosi %mul3A_453 : vector<16xf32> to vector<16xi32>
      %gather3A_455 = tpu.vector_load_idx %arg5[%convert_element_type3A_454] : memref<65792xi32, #tpu.memory_space<vmem>>[vector<16xi32>], vector<16xi32>,
      %convert_element_type3A_456 = arith.sitofp %and3A_450 : vector<16xi32> to vector<16xf32>
      %sub3A_457 = arith.subf %convert_element_type3A_456, %get3A_448 : vector<16xf32>
      tpu.vector_store_idx %arg6[%gather3A_455], %sub3A_457 {add = true} : memref<20480xf32, #tpu.memory_space<vmem>>[vector<16xi32>], vector<16xf32>,
      %mul3A_458 = arith.constant 512 : i32
      %mul3A_459 = arith.muli %scan3A_13, %mul3A_458 : i32
      %add3A_460 = arith.constant 480 : i32
      %add3A_461 = arith.addi %mul3A_459, %add3A_460 : i32
      %get3A_462 = arith.index_cast %add3A_461 : i32 to index
      %get3A_463 = tpu.vector_load %arg7[%get3A_462] {strides = array<i32>} : memref<31744xf32, #tpu.memory_space<vmem>>, vector<16xf32>,
      %bitcast3A_464 = vector.bitcast %get3A_463 : vector<16xf32> to vector<16xi32>
      %and3A_465 = arith.andi %bitcast3A_464, %broadcast_in_dim3A_7 : vector<16xi32>
      %mul3A_466 = arith.constant 6.553600e+04 : f32
      %mul3A_467 = vector.broadcast %mul3A_466 : f32 to vector<16xf32>
      %mul3A_468 = arith.mulf %get3A_463, %mul3A_467 : vector<16xf32>
      %convert_element_type3A_469 = arith.fptosi %mul3A_468 : vector<16xf32> to vector<16xi32>
      %gather3A_470 = tpu.vector_load_idx %arg5[%convert_element_type3A_469] : memref<65792xi32, #tpu.memory_space<vmem>>[vector<16xi32>], vector<16xi32>,
      %convert_element_type3A_471 = arith.sitofp %and3A_465 : vector<16xi32> to vector<16xf32>
      %sub3A_472 = arith.subf %convert_element_type3A_471, %get3A_463 : vector<16xf32>
      tpu.vector_store_idx %arg6[%gather3A_470], %sub3A_472 {add = true} : memref<20480xf32, #tpu.memory_space<vmem>>[vector<16xi32>], vector<16xf32>,
      %mul3A_473 = arith.constant 512 : i32
      %mul3A_474 = arith.muli %scan3A_13, %mul3A_473 : i32
      %add3A_475 = arith.constant 496 : i32
      %add3A_476 = arith.addi %mul3A_474, %add3A_475 : i32
      %get3A_477 = arith.index_cast %add3A_476 : i32 to index
      %get3A_478 = tpu.vector_load %arg7[%get3A_477] {strides = array<i32>} : memref<31744xf32, #tpu.memory_space<vmem>>, vector<16xf32>,
      %bitcast3A_479 = vector.bitcast %get3A_478 : vector<16xf32> to vector<16xi32>
      %and3A_480 = arith.andi %bitcast3A_479, %broadcast_in_dim3A_7 : vector<16xi32>
      %mul3A_481 = arith.constant 6.553600e+04 : f32
      %mul3A_482 = vector.broadcast %mul3A_481 : f32 to vector<16xf32>
      %mul3A_483 = arith.mulf %get3A_478, %mul3A_482 : vector<16xf32>
      %convert_element_type3A_484 = arith.fptosi %mul3A_483 : vector<16xf32> to vector<16xi32>
      %gather3A_485 = tpu.vector_load_idx %arg5[%convert_element_type3A_484] : memref<65792xi32, #tpu.memory_space<vmem>>[vector<16xi32>], vector<16xi32>,
      %convert_element_type3A_486 = arith.sitofp %and3A_480 : vector<16xi32> to vector<16xf32>
      %sub3A_487 = arith.subf %convert_element_type3A_486, %get3A_478 : vector<16xf32>
      tpu.vector_store_idx %arg6[%gather3A_485], %sub3A_487 {add = true} : memref<20480xf32, #tpu.memory_space<vmem>>[vector<16xi32>], vector<16xf32>,
    }
    %scan3A_12 = arith.constant 62 : i32
    "tpu.region"() ({
      %run_scoped3A = tpu.sem_alloc : memref<!tpu.dma_semaphore, #tpu.memory_space<semaphore_mem>>
      %dma_start3A = arith.constant 0 : i32
      %dma_start3A_13 = tpu.memref_slice %arg4[%add3A, %dma_start3A] : memref<32x20480xf32, #tpu.memory_space<hbm>> -> memref<1x20480xf32, #tpu.memory_space<hbm>>
      %dma_start3A_14 = tpu.memref_squeeze %dma_start3A_13 : memref<1x20480xf32, #tpu.memory_space<hbm>> -> memref<20480xf32, #tpu.memory_space<hbm>>
      %dma_start3A_15 = arith.constant 0 : i32
      %dma_start3A_16 = tpu.memref_slice %arg4[%add3A, %dma_start3A_15] : memref<32x20480xf32, #tpu.memory_space<hbm>> -> memref<1x20480xf32, #tpu.memory_space<hbm>>
      %dma_start3A_17 = tpu.memref_squeeze %dma_start3A_16 : memref<1x20480xf32, #tpu.memory_space<hbm>> -> memref<20480xf32, #tpu.memory_space<hbm>>
      tpu.enqueue_dma source(%arg6 : memref<20480xf32, #tpu.memory_space<vmem>>) target(%dma_start3A_17 : memref<20480xf32, #tpu.memory_space<hbm>>) target_semaphore(%run_scoped3A : memref<!tpu.dma_semaphore, #tpu.memory_space<semaphore_mem>>)
      %dma_wait3A = arith.constant 0 : i32
      %dma_wait3A_18 = tpu.memref_slice %arg4[%add3A, %dma_wait3A] : memref<32x20480xf32, #tpu.memory_space<hbm>> -> memref<1x20480xf32, #tpu.memory_space<hbm>>
      %dma_wait3A_19 = tpu.memref_squeeze %dma_wait3A_18 : memref<1x20480xf32, #tpu.memory_space<hbm>> -> memref<20480xf32, #tpu.memory_space<hbm>>
      %dma_wait3A_20 = arith.constant 0 : i32
      %dma_wait3A_21 = tpu.memref_slice %arg4[%add3A, %dma_wait3A_20] : memref<32x20480xf32, #tpu.memory_space<hbm>> -> memref<1x20480xf32, #tpu.memory_space<hbm>>
      %dma_wait3A_22 = tpu.memref_squeeze %dma_wait3A_21 : memref<1x20480xf32, #tpu.memory_space<hbm>> -> memref<20480xf32, #tpu.memory_space<hbm>>
      tpu.wait_dma2 semaphore(%run_scoped3A : memref<!tpu.dma_semaphore, #tpu.memory_space<semaphore_mem>>) src(%arg6 : memref<20480xf32, #tpu.memory_space<vmem>>) dst(%dma_wait3A_22 : memref<20480xf32, #tpu.memory_space<hbm>>)
      tpu.yield
    }) : () -> ()
    return
  }
}

module attributes {stable_mosaic.version = 14 : i64} {
  func.func @_prefix_body(%arg0: i32, %arg1: memref<32x32x128xi32, #tpu.memory_space<vmem>>, %arg2: memref<32x128xi32, #tpu.memory_space<vmem>>, %arg3: memref<1xi32, #tpu.memory_space<smem>>) attributes {dimension_semantics = [#tpu.dimension_semantics<arbitrary>], iteration_bounds = array<i64: 16>, scalar_prefetch = 0 : i64, scratch_operands = 1 : i64, tpu.core_type = #tpu.core_type<tc>, window_params = [{transform_indices = @transform_0, window_bounds = array<i64: 32, 32, 128>}, {transform_indices = @transform_1, window_bounds = array<i64: 32, 128>}]} {
    %eq3A = arith.constant 0 : i32
    %eq3A_0 = arith.cmpi eq, %arg0, %eq3A : i32
    %convert_element_type3A = arith.extui %eq3A_0 : i1 to i32
    %cond3A = arith.constant 0 : i32
    %cond3A_1 = arith.cmpi ne, %convert_element_type3A, %cond3A : i32
    scf.if %cond3A_1 {
      %swap3A_60 = arith.constant 0 : i32
      %swap3A_61 = arith.constant 0 : index
      %swap3A_62 = memref.load %arg3[%swap3A_61] : memref<1xi32, #tpu.memory_space<smem>>
      memref.store %swap3A_60, %arg3[%swap3A_61] : memref<1xi32, #tpu.memory_space<smem>>
    } else {
    }
    %get3A = arith.constant 0 : index
    %get3A_2 = arith.constant 0 : index
    %get3A_3 = arith.constant 0 : index
    %get3A_4 = vector.load %arg1[%get3A, %get3A_2, %get3A_3] : memref<32x32x128xi32, #tpu.memory_space<vmem>>, vector<32x32x128xi32>
    %reduce_sum3A = arith.constant dense<0> : vector<32x128xi32>
    %reduce_sum3A_5 = vector.multi_reduction <add>, %get3A_4, %reduce_sum3A [0] : vector<32x32x128xi32> to vector<32x128xi32>
    %convert_element_type3A_6 = arith.sitofp %reduce_sum3A_5 : vector<32x128xi32> to vector<32x128xf32>
    %iota3A = tpu.iota {dimensions = array<i32: 0>} : vector<128x128xi32>
    %iota3A_7 = tpu.iota {dimensions = array<i32: 1>} : vector<128x128xi32>
    %le3A = arith.cmpi sle, %iota3A, %iota3A_7 : vector<128x128xi32>
    %convert_element_type3A_8 = arith.extui %le3A : vector<128x128xi1> to vector<128x128xi32>
    %convert_element_type3A_9 = arith.sitofp %convert_element_type3A_8 : vector<128x128xi32> to vector<128x128xf32>
    %dot_general3A = arith.constant dense<0.000000e+00> : vector<32x128xf32>
    %dot_general3A_10 = tpu.matmul %convert_element_type3A_6, %convert_element_type3A_9, %dot_general3A {dimension_numbers = #tpu.dot_dimension_numbers<[1], [0], [0], [1], [0, 0, 1, 1], [], []>, transpose_lhs_hint = false} : vector<32x128xf32>, vector<128x128xf32>, vector<32x128xf32> -> vector<32x128xf32>
    %iota3A_11 = tpu.iota {dimensions = array<i32: 0>} : vector<32x32xi32>
    %iota3A_12 = tpu.iota {dimensions = array<i32: 1>} : vector<32x32xi32>
    %lt3A = arith.cmpi slt, %iota3A_12, %iota3A_11 : vector<32x32xi32>
    %convert_element_type3A_13 = arith.extui %lt3A : vector<32x32xi1> to vector<32x32xi32>
    %convert_element_type3A_14 = arith.sitofp %convert_element_type3A_13 : vector<32x32xi32> to vector<32x32xf32>
    %reduce_sum3A_15 = arith.constant dense<0.000000e+00> : vector<32xf32>
    %reduce_sum3A_16 = vector.multi_reduction <add>, %convert_element_type3A_6, %reduce_sum3A_15 [1] : vector<32x128xf32> to vector<32xf32>
    %broadcast_in_dim3A = vector.shape_cast %reduce_sum3A_16 : vector<32xf32> to vector<32x1xf32>
    %dot_general3A_17 = arith.constant dense<0.000000e+00> : vector<32x1xf32>
    %dot_general3A_18 = tpu.matmul %convert_element_type3A_14, %broadcast_in_dim3A, %dot_general3A_17 {dimension_numbers = #tpu.dot_dimension_numbers<[1], [0], [0], [1], [0, 0, 1, 1], [], []>, transpose_lhs_hint = false} : vector<32x32xf32>, vector<32x1xf32>, vector<32x1xf32> -> vector<32x1xf32>
    %sub3A = arith.subf %dot_general3A_10, %convert_element_type3A_6 : vector<32x128xf32>
    %add3A = vector.broadcast %dot_general3A_18 : vector<32x1xf32> to vector<32x128xf32>
    %add3A_19 = arith.addf %sub3A, %add3A : vector<32x128xf32>
    %convert_element_type3A_20 = arith.fptosi %add3A_19 : vector<32x128xf32> to vector<32x128xi32>
    %get3A_21 = arith.constant 0 : index
    %get3A_22 = memref.load %arg3[%get3A_21] : memref<1xi32, #tpu.memory_space<smem>>
    %add3A_23 = vector.broadcast %get3A_22 : i32 to vector<32x128xi32>
    %add3A_24 = arith.addi %convert_element_type3A_20, %add3A_23 : vector<32x128xi32>
    %convert_element_type3A_25 = arith.sitofp %add3A_24 : vector<32x128xi32> to vector<32x128xf32>
    %mul3A = arith.constant 2.000000e-02 : f32
    %mul3A_26 = vector.broadcast %mul3A : f32 to vector<32x128xf32>
    %mul3A_27 = arith.mulf %convert_element_type3A_25, %mul3A_26 : vector<32x128xf32>
    %convert_element_type3A_28 = arith.fptosi %mul3A_27 : vector<32x128xf32> to vector<32x128xi32>
    %mul3A_29 = arith.constant 50 : i32
    %mul3A_30 = vector.broadcast %mul3A_29 : i32 to vector<32x128xi32>
    %mul3A_31 = arith.muli %convert_element_type3A_28, %mul3A_30 : vector<32x128xi32>
    %sub3A_32 = arith.subi %add3A_24, %mul3A_31 : vector<32x128xi32>
    %ge3A = arith.constant 50 : i32
    %ge3A_33 = vector.broadcast %ge3A : i32 to vector<32x128xi32>
    %ge3A_34 = arith.cmpi sge, %sub3A_32, %ge3A_33 : vector<32x128xi32>
    %add3A_35 = arith.constant 1 : i32
    %add3A_36 = vector.broadcast %add3A_35 : i32 to vector<32x128xi32>
    %add3A_37 = arith.addi %convert_element_type3A_28, %add3A_36 : vector<32x128xi32>
    %select_n3A = arith.select %ge3A_34, %add3A_37, %convert_element_type3A_28 : vector<32x128xi1>, vector<32x128xi32>
    %lt3A_38 = arith.constant 0 : i32
    %lt3A_39 = vector.broadcast %lt3A_38 : i32 to vector<32x128xi32>
    %lt3A_40 = arith.cmpi slt, %sub3A_32, %lt3A_39 : vector<32x128xi32>
    %sub3A_41 = arith.constant 1 : i32
    %sub3A_42 = vector.broadcast %sub3A_41 : i32 to vector<32x128xi32>
    %sub3A_43 = arith.subi %select_n3A, %sub3A_42 : vector<32x128xi32>
    %select_n3A_44 = arith.select %lt3A_40, %sub3A_43, %select_n3A : vector<32x128xi1>, vector<32x128xi32>
    %min3A = arith.constant 19999 : i32
    %min3A_45 = vector.broadcast %min3A : i32 to vector<32x128xi32>
    %min3A_46 = arith.minsi %select_n3A_44, %min3A_45 : vector<32x128xi32>
    %swap3A = arith.constant 0 : index
    %swap3A_47 = arith.constant 0 : index
    %swap3A_48 = vector.load %arg2[%swap3A, %swap3A_47] : memref<32x128xi32, #tpu.memory_space<vmem>>, vector<32x128xi32>
    tpu.vector_store %arg2[%swap3A, %swap3A_47], %min3A_46 {strides = array<i32>} : memref<32x128xi32, #tpu.memory_space<vmem>>, vector<32x128xi32>,
    %get3A_49 = arith.constant 0 : index
    %get3A_50 = memref.load %arg3[%get3A_49] : memref<1xi32, #tpu.memory_space<smem>>
    %reduce_sum3A_51 = vector.shape_cast %convert_element_type3A_6 : vector<32x128xf32> to vector<1x32x128xf32>
    %reduce_sum3A_52 = arith.constant dense<0.000000e+00> : vector<1xf32>
    %reduce_sum3A_53 = vector.multi_reduction <add>, %reduce_sum3A_51, %reduce_sum3A_52 [1, 2] : vector<1x32x128xf32> to vector<1xf32>
    %reduce_sum3A_54 = vector.shape_cast %reduce_sum3A_53 : vector<1xf32> to vector<1x1x1xf32>
    %reduce_sum3A_55 = vector.extract %reduce_sum3A_54[0, 0, 0] : f32 from vector<1x1x1xf32>
    %convert_element_type3A_56 = arith.fptosi %reduce_sum3A_55 : f32 to i32
    %add3A_57 = arith.addi %get3A_50, %convert_element_type3A_56 : i32
    %swap3A_58 = arith.constant 0 : index
    %swap3A_59 = memref.load %arg3[%swap3A_58] : memref<1xi32, #tpu.memory_space<smem>>
    memref.store %add3A_57, %arg3[%swap3A_58] : memref<1xi32, #tpu.memory_space<smem>>
    return
  }
  func.func @transform_0(%arg0: i32) -> (i32, i32, i32) {
    %c0_i32 = arith.constant 0 : i32
    %c0_i32_0 = arith.constant 0 : i32
    %c0_i32_1 = arith.constant 0 : i32
    return %c0_i32, %arg0, %c0_i32_0 : i32, i32, i32
  }
  func.func @transform_1(%arg0: i32) -> (i32, i32) {
    %c0_i32 = arith.constant 0 : i32
    %c0_i32_0 = arith.constant 0 : i32
    return %arg0, %c0_i32 : i32, i32
  }
}

module attributes {stable_mosaic.version = 14 : i64} {
  func.func @_final_body(%arg0: memref<32x20480xf32, #tpu.memory_space<vmem>>, %arg1: memref<1x1xf32, #tpu.memory_space<smem>>) attributes {dimension_semantics = [], scalar_prefetch = 0 : i64, scratch_operands = 0 : i64, tpu.core_type = #tpu.core_type<tc>} {
    %get3A = arith.constant 0 : index
    %get3A_0 = arith.constant 0 : index
    %get3A_1 = vector.load %arg0[%get3A, %get3A_0] : memref<32x20480xf32, #tpu.memory_space<vmem>>, vector<32x20480xf32>
    %reduce_sum3A = arith.constant dense<0.000000e+00> : vector<20480xf32>
    %reduce_sum3A_2 = vector.multi_reduction <add>, %get3A_1, %reduce_sum3A [0] : vector<32x20480xf32> to vector<20480xf32>
    %broadcast_in_dim3A = vector.shape_cast %reduce_sum3A_2 : vector<20480xf32> to vector<1x20480xf32>
    %abs3A = math.absf %broadcast_in_dim3A : vector<1x20480xf32>
    %reduce_sum3A_3 = vector.shape_cast %abs3A : vector<1x20480xf32> to vector<1x1x20480xf32>
    %reduce_sum3A_4 = arith.constant dense<0.000000e+00> : vector<1xf32>
    %reduce_sum3A_5 = vector.multi_reduction <add>, %reduce_sum3A_3, %reduce_sum3A_4 [1, 2] : vector<1x1x20480xf32> to vector<1xf32>
    %reduce_sum3A_6 = vector.shape_cast %reduce_sum3A_5 : vector<1xf32> to vector<1x1x1xf32>
    %reduce_sum3A_7 = vector.extract %reduce_sum3A_6[0, 0, 0] : f32 from vector<1x1x1xf32>
    %mul3A = arith.constant 9.99999997E-7 : f32
    %mul3A_8 = arith.mulf %reduce_sum3A_7, %mul3A : f32
    %swap3A = arith.constant 0 : index
    %swap3A_9 = arith.constant 0 : index
    %swap3A_10 = memref.load %arg1[%swap3A, %swap3A_9] : memref<1x1xf32, #tpu.memory_space<smem>>
    memref.store %mul3A_8, %arg1[%swap3A, %swap3A_9] : memref<1x1xf32, #tpu.memory_space<smem>>
    return
  }
}

</mosaic_0001>

<sc_bundles>
// kernel: kernel.6.cloned.1.call-start
scs
__scs_entry_jumppad:
0x0: {  	(pc) =	sbr.rel $0x88, $3  }
0x1: {  	(tag) =	ssettag $0x0;
	lr =	simm.s32 $0x1  }
0x2: {  	[smem:$0x3F9F] =	sst lr;
	_ =	strace $0xD0000000  }
0x3: {  	_ = 	snop  }
0x4: {  	_ = 	snop  }
0x5: {  	_ = 	snop  }
0x6: {  	_ = 	snop  }
0x7: {  	_ = 	snop  }
__scs_overlays_trampoline_lowered:
0x8: {  	[smem:$0x3FAE] =	sst s0  }
0x9: {  	[smem:$0x3FAF] =	sst s1  }
0xa: {  	[smem:$0x3FB0] =	sst s2  }
0xb: {  	[smem:$0x3FB1] =	sst s3  }
0xc: {  	[smem:$0x3FB2] =	sst s4  }
0xd: {  	[smem:$0x3FB3] =	sst s5  }
0xe: {  	[smem:$0x3FB4] =	sst s6  }
0xf: {  	[smem:$0x3FB5] =	sst s7  }
0x10: {  	[smem:$0x3FB6] =	sst s8  }
0x11: {  	[smem:$0x3FB7] =	sst s9;
	s0 =	simm.s32 @!p0 $0x0  }
0x12: {  	s1 =	sld [smem:$0x3F9D];
	s0 =	simm.s32 @p0 $0x1  }
0x13: {  	[smem:$0x3FB8] =	sst s0;
	s0 =	simm.s32 @!p1 $0x0  }
0x14: {  	s2 =	sld [smem:$0x3F9C];
	s0 =	simm.s32 @p1 $0x1  }
0x15: {  	[smem:$0x3FB9] =	sst s0;
	s0 =	simm.s32 @!p2 $0x0  }
0x16: {  	s3 =	sld [smem:$0x3FDB];
	s0 =	simm.s32 @p2 $0x1  }
0x17: {  	s4 =	simm.s32 $0x1BF5;
	[smem:$0x3FBB] =	sst s0  }
0x18: {  	s0 =	sld [smem:$0x3F9E];
	_ =	swait.ge [sflag:s4], $0x0  }
0x19: {  	s7 =	sld [smem:$0x3F9F]  }
0x1a: {  	s8 =	sadd.s32 $0xFFFFE003, lr  }
0x1b: {  	s9 =	sadd.s32 $0xFFFFFEF7, lr;
	s5 =	simm.s32 $0xFFFFFFFF;
	p2 =	slt.u32 s8, $0xFFFFF086  }
0x1c: {  	p1 =	slt.u32 s9, $0xF7A;
	s5 =	simm.s32 @!p2 $0x0  }
0x1d: {  	s5 =	simm.s32 @p1 $0x1;
	p0 =	seq.s32 s7, s2  }
0x1e: {  	s7 =	smul.u32 @!p0 $0xF7A, s2;
	p2 =	seq.s32 @!p0 s5, $0x0  }
0x1f: {  	s9 =	smul.u32 $0xF7A, s1;
	s8 =	simm.s32 @!p0 $0x1BF5;
	p2 =	por !p2, p0  }
0x20: {  	[sflag:s8] =	ssyncset.s32 @!p0 $0xFFFFF086;
	s6 =	sadd.s32 @!p0 s3, s7;
	s7 =	simm.s32 @!p0 $0x108  }
0x21: {  	s3 =	sadd.s32 s3, s9;
	s6 =	sadd.s32 @!p0 $0x88, s6;
	s7 =	simm.s32 @p2 $0x1082  }
0x22: {  	[simem:s7], [sflag:s8] =	dma.local @!p0 [hbm:s6], $0xF7A  }
0x23: {  	s9 =	sor.u32 $0xD0000000, s2;
	s6 =	simm.s32 $0x108;
	_ =	swait.ge @!p0 [sflag:s8], $0x0  }
0x24: {  	s3 =	sadd.s32 $0x88, s3;
	s6 =	simm.s32 @!p1 $0x1082;
	[sflag:s4] =	ssyncset.s32 $0xFFFFF086  }
0x25: {  	[simem:s6], [sflag:s4] =	dma.local [hbm:s3], $0xF7A  }
0x26: {  	[smem:$0x3F9F] =	sst s1;
	(tag) =	ssettag s2;
	_ =	strace s9  }
0x27: {  	s1 =	sld [smem:$0x3FAF]  }
0x28: {  	s2 =	sld [smem:$0x3FB0]  }
0x29: {  	s4 =	sld [smem:$0x3FB2]  }
0x2a: {  	p0 =	seq.s32 s5, $0x0;
	s5 =	sld [smem:$0x3FB3]  }
0x2b: {  	s6 =	sld [smem:$0x3FB4]  }
0x2c: {  	s7 =	sld [smem:$0x3FB5]  }
0x2d: {  	s3 =	simm.s32 $0x108;
	s8 =	sld [smem:$0x3FB6]  }
0x2e: {  	s3 =	simm.s32 @!p0 $0x1082;
	s9 =	sld [smem:$0x3FB7]  }
0x2f: {  	lr =	sadd.s32 s0, s3;
	s0 =	sld [smem:$0x3FAE]  }
0x30: {  	s3 =	sld [smem:$0x3FB1]  }
0x31: {  	[smem:$0x3FBA] =	sst s10  }
0x32: {  	s10 =	sld [smem:$0x3FB8];
	_ =	sdelay $0x3  }
0x33: {  	p0 =	seq.s32 s10, $0x1;
	s10 =	sld [smem:$0x3FBA];
	_ =	sdelay $0x3  }
0x34: {  	[smem:$0x3FBA] =	sst s10  }
0x35: {  	s10 =	sld [smem:$0x3FB9];
	_ =	sdelay $0x3  }
0x36: {  	p1 =	seq.s32 s10, $0x1;
	s10 =	sld [smem:$0x3FBA];
	_ =	sdelay $0x3  }
0x37: {  	[smem:$0x3FBA] =	sst s10  }
0x38: {  	s10 =	sld [smem:$0x3FBB]  }
0x39: {  	_ = 	snop;
	(pc) =	sbr.ind lr, $3  }
0x3a: {  	_ = 	snop  }
0x3b: {  	_ = 	snop  }
0x3c: {  	p2 =	seq.s32 s10, $0x1;
	s10 =	sld [smem:$0x3FBA]  }
0x3d: {  	_ =	shalt  }
0x3e: {  	_ =	shalt  }
0x3f: {  	_ =	shalt  }
0x40: {  	_ =	shalt  }
0x41: {  	_ =	shalt  }
0x42: {  	_ =	shalt  }
0x43: {  	_ =	shalt  }
0x44: {  	_ =	shalt  }
0x45: {  	_ =	shalt  }
0x46: {  	_ =	shalt  }
0x47: {  	_ =	shalt  }
0x48: {  	_ =	shalt  }
0x49: {  	_ =	shalt  }
0x4a: {  	_ =	shalt  }
0x4b: {  	_ =	shalt  }
0x4c: {  	_ =	shalt  }
0x4d: {  	_ =	shalt  }
0x4e: {  	_ =	shalt  }
0x4f: {  	_ =	shalt  }
0x50: {  	_ =	shalt  }
0x51: {  	_ =	shalt  }
0x52: {  	_ =	shalt  }
0x53: {  	_ =	shalt  }
0x54: {  	_ =	shalt  }
0x55: {  	_ =	shalt  }
0x56: {  	_ =	shalt  }
0x57: {  	_ =	shalt  }
0x58: {  	_ =	shalt  }
0x59: {  	_ =	shalt  }
0x5a: {  	_ =	shalt  }
0x5b: {  	_ =	shalt  }
0x5c: {  	_ =	shalt  }
0x5d: {  	_ =	shalt  }
0x5e: {  	_ =	shalt  }
0x5f: {  	_ =	shalt  }
0x60: {  	_ =	shalt  }
0x61: {  	_ =	shalt  }
0x62: {  	_ =	shalt  }
0x63: {  	_ =	shalt  }
0x64: {  	_ =	shalt  }
0x65: {  	_ =	shalt  }
0x66: {  	_ =	shalt  }
0x67: {  	_ =	shalt  }
0x68: {  	_ =	shalt  }
0x69: {  	_ =	shalt  }
0x6a: {  	_ =	shalt  }
0x6b: {  	_ =	shalt  }
0x6c: {  	_ =	shalt  }
0x6d: {  	_ =	shalt  }
0x6e: {  	_ =	shalt  }
0x6f: {  	_ =	shalt  }
0x70: {  	_ =	shalt  }
0x71: {  	_ =	shalt  }
0x72: {  	_ =	shalt  }
0x73: {  	_ =	shalt  }
0x74: {  	_ =	shalt  }
0x75: {  	_ =	shalt  }
0x76: {  	_ =	shalt  }
0x77: {  	_ =	shalt  }
0x78: {  	_ =	shalt  }
0x79: {  	_ =	shalt  }
0x7a: {  	_ =	shalt  }
0x7b: {  	_ =	shalt  }
0x7c: {  	_ =	shalt  }
0x7d: {  	_ =	shalt  }
0x7e: {  	_ =	shalt  }
0x7f: {  	_ =	shalt  }
0x80: {  	_ =	shalt  }
0x81: {  	_ =	shalt  }
0x82: {  	_ =	shalt  }
0x83: {  	_ =	shalt  }
0x84: {  	_ =	shalt  }
0x85: {  	_ =	shalt  }
0x86: {  	_ =	shalt  }
0x87: {  	_ =	shalt  }
.Lfunc_end0:
.L_simem_size_0:
called_computation_lowered:
.L_overlay_start_0:
0x88: {  	s2 =	sld [smem:$0x3FD9]  }
0x89: {  	s3 =	sld [smem:$0x3FFE];
	_ =	sdelay $0x1  }
0x8a: {  	s1 =	srdreg.scid  }
0x8b: {  	s0 =	sand.u32 $0x1, s1  }
0x8c: {  	s16 =	sshll.u32 s0, $0xA;
	s2 =	sadd.s32 s3, s2  }
0x8d: {  	s2 =	sadd.s32 s2, s16  }
0x8e: {  	[smem:$0x3FC6] =	sst s2  }
0x8f: {  	_ = 	snop  }
0x90: {  	(tm) =	ssettm $0x1  }
0x91: {  	s17 =	sld [smem:$0x3FFB];
	_ =	sdelay $0x3  }
0x92: {  	_ =	strace s17  }
0x93: {  	s2 =	sld [smem:$0x3FFC];
	_ =	sdelay $0x3  }
0x94: {  	_ =	strace s2  }
0x95: {  	s2 =	sld [smem:$0x3FFD];
	_ =	sdelay $0x3  }
0x96: {  	_ =	strace s2  }
0x97: {  	_ =	strace $0x8FFFFFFF  }
0x98: {  	s18 =	sld [smem:$0x3FDB];
	_ =	sdelay $0x1  }
0x99: {  	s19 =	simm.s32 $_scs_section_size  }
0x9a: {  	s4 =	simm.s32 $_size__tile_overlayer_lowered;
	s5 =	simm.s32 $_tile_overlayer_lowered  }
0x9b: {  	s22 =	simm.s32 $0x1BFF;
	s21 =	sshll.u32 s5, $0x1;
	s2 =	sadd.s32 s19, s18  }
0x9c: {  	s6 =	simm.s32 $0x0;
	s20 =	sshll.u32 s4, $0x1;
	s4 =	sadd.s32 s21, s2  }
0x9d: {  	[timem:s6], [sflag:s22] =	dma.local [hbm:s4], s20  }
0x9e: {  	_ =	swait.ge [sflag:s22], s20  }
0x9f: {  	s3 =	ssub.s32 $0x0, s20;
	[sflag:s22] =	ssyncset.done $0x0  }
0xa0: {  	[sflag:s22] =	ssyncadd.s32 s3;
	_ =	sdelay $0x1  }
0xa1: {  	s23 =	simm.s32 $0x1B8B  }
0xa2: {  	_ =	swait.ge [sflag:s23], $0x1  }
0xa3: {  	[sflag:s23] =	ssyncset.done $0x0  }
0xa4: {  	s25 =	simm.s32 $0x1B8E;
	s24 =	sld [smem:$0x3FFE];
	[sflag:s23] =	ssyncadd.s32 $0xFFFFFFFF  }
0xa5: {  	s26 =	simm.s32 $execute0_lowered;
	[smem:$0x3FD2] =	sst s25  }
0xa6: {  	s4 =	sshll.u32 s26, $0x1;
	_ =	strace $0x80000046;
	[dreg:$0x1] =	wrdreg $0xFFFFFFFF  }
0xa7: {  	s28 =	simm.s32 $_size_execute0_lowered;
	s2 =	sadd.s32 s2, s4;
	[dreg:$0x0] =	wrdreg $0x0  }
0xa8: {  	s4 =	sshll.u32 s28, $0x1;
	[dreg:$0x2] =	wrdreg s2  }
0xa9: {  	[dreg:$0x3] =	wrdreg s4  }
0xaa: {  	[dreg:$0x4] =	wrdreg $0xC0  }
0xab: {  	_ =	task [dreg:s6], $0x5FFFF  }
0xac: {  	[dreg:$0x1] =	wrdreg $0xFFFFFFFF  }
0xad: {  	[dreg:$0x0] =	wrdreg $0x60  }
0xae: {  	[dreg:$0x2] =	wrdreg s24  }
0xaf: {  	[dreg:$0x3] =	wrdreg $0x9  }
0xb0: {  	_ =	task.clear_ibuf [dreg:s6], $0x4FFFF;
	_ =	strace $0x90000046  }
0xb1: {  	s29 =	simm.s32 $0x9;
	_ =	strace $0x80000048  }
0xb2: {  	_ =	swait.ge [sflag:s29], $0x1  }
0xb3: {  	[sflag:s29] =	ssyncadd.s32 $0xFFFFFFFF  }
0xb4: {  	_ =	strace $0x90000048  }
0xb5: {  	_ =	sfence  }
0xb6: {  	s30 =	sld [smem:$0x0];
	_ =	sdelay $0x2  }
0xb7: {  	s31 =	sshll.u32 s1, $0xD;
	s1 =	sshrl.u32 s1, $0x2  }
0xb8: {  	s3 =	sand.u32 $0x4000, s31;
	s1 =	sadd.s32 s1, s30  }
0xb9: {  	s0 =	sor.u32 s3, s0;
	s1 =	sshll.u32 s1, $0x11  }
0xba: {  	s0 =	sor.u32 s1, s0  }
0xbb: {  	s0 =	sadd.s32 $0x8F2B, s0  }
0xbc: {  	[sflag:s0] =	ssyncadd.remote.s32 $0x1  }
0xbd: {  	_ =	sfence.sel $0xFFFF  }
0xbe: {  	[dreg:$0x0] =	wrdreg $0xFFFFFFFF;
	(pc) =	sbr.abs _section_cstart, $3  }
0xbf: {  	[dreg:$0x1] =	wrdreg $0xFFFFFFFF  }
0xc0: {  	_ =	task.clear_ibuf [dreg:s6], $0x2FFFF;
	_ =	strace $0x9FFFFFFF  }
0xc1: {  	(tm) =	ssettm $0x7FFFFFFF  }
tec
execute0_lowered:
.L_overlay_start_1:
0x0: {  	(tag) =	ssettag $0x1  }
0x1: {  	s1 =	srdreg.scid;
	s0 =	stileid.u32  }
0x2: {  	s3 =	rddreg [dreg:$0x0];
	s2 =	simm.s32 $0x0;
	s8 =	simm.s32 $0x0  }
0x3: {  	s4 =	sand.u32 $0x1, s1;
	s5 =	sshll.u32 s0, $0x1;
	s1 =	rddreg [dreg:$0x1]  }
0x4: {  	[smem:$0x7FF] =	sst s2;
	s5 =	sor.u32 s4, s5;
	s4 =	ssub.s32 $0x2, s4  }
0x5: {  	s6 =	smul.u32 $0xF80, s5;
	s5 =	sshll.u32 s5, $0xD;
	s7 =	sshrl.u32 s4, $0x1  }
0x6: {  	_ =	strace $0x80000047;
	s5 =	sadd.s32 s5, s3;
	s7 =	ssub.s32 s4, s7  }
0x7: {  	s6 =	sadd.s32 s6, s3;
	s4 =	sadd.s32 $0x1FA00, s5;
	s5 =	smax.u32 s7, $0x1  }
0x8: {  	v0 =	vimm.s32 $0x0;
	v1 =	vimm.s32 $0x1;
	s7 =	simm.s32 $0x7C00;
	s3 =	sadd.s32 $0xA00, s6;
	s6 =	simm.s32 $0x1  }
.LBB2_1:
0x9: {  	s9 =	simm.s32 $0x0;
	s10 =	simm.s32 $0x800  }
.LBB2_2:
0xa: {  	p0 =	sne.s32 s10, $0x3F800;
	[tilespmem:s9+$0x7DF0] =	vst v0  }
0xb: {  	[tilespmem:s9+$0x7C00] =	vst v0  }
0xc: {  	[tilespmem:s9+$0x7C10] =	vst v0  }
0xd: {  	[tilespmem:s9+$0x7C20] =	vst v0  }
0xe: {  	[tilespmem:s9+$0x7C30] =	vst v0  }
0xf: {  	[tilespmem:s9+$0x7C40] =	vst v0  }
0x10: {  	[tilespmem:s9+$0x7C50] =	vst v0  }
0x11: {  	[tilespmem:s9+$0x7C60] =	vst v0  }
0x12: {  	[tilespmem:s9+$0x7C70] =	vst v0  }
0x13: {  	[tilespmem:s9+$0x7C80] =	vst v0  }
0x14: {  	[tilespmem:s9+$0x7C90] =	vst v0  }
0x15: {  	[tilespmem:s9+$0x7CA0] =	vst v0  }
0x16: {  	[tilespmem:s9+$0x7CB0] =	vst v0  }
0x17: {  	[tilespmem:s9+$0x7CC0] =	vst v0  }
0x18: {  	[tilespmem:s9+$0x7CD0] =	vst v0  }
0x19: {  	[tilespmem:s9+$0x7CE0] =	vst v0  }
0x1a: {  	[tilespmem:s9+$0x7CF0] =	vst v0  }
0x1b: {  	[tilespmem:s9+$0x7D00] =	vst v0  }
0x1c: {  	[tilespmem:s9+$0x7D10] =	vst v0  }
0x1d: {  	[tilespmem:s9+$0x7D20] =	vst v0  }
0x1e: {  	[tilespmem:s9+$0x7D30] =	vst v0  }
0x1f: {  	[tilespmem:s9+$0x7D40] =	vst v0  }
0x20: {  	[tilespmem:s9+$0x7D50] =	vst v0  }
0x21: {  	[tilespmem:s9+$0x7D60] =	vst v0  }
0x22: {  	[tilespmem:s9+$0x7D70] =	vst v0  }
0x23: {  	[tilespmem:s9+$0x7D80] =	vst v0  }
0x24: {  	[tilespmem:s9+$0x7D90] =	vst v0  }
.Ltmp0:
0x25: {  	[tilespmem:s9+$0x7DA0] =	vst v0;
	(pc) =	sbr.rel @p0 .LBB2_2-.Ltmp0, $4  }
0x26: {  	[tilespmem:s9+$0x7DB0] =	vst v0  }
0x27: {  	[tilespmem:s9+$0x7DC0] =	vst v0  }
0x28: {  	[tilespmem:s9+$0x7DD0] =	vst v0  }
0x29: {  	[tilespmem:s9+$0x7DE0] =	vst v0;
	s9 =	sshra.s32 s10, $0x2;
	s10 =	sadd.s32 $0x800, s10  }
0x2a: {  	[tilespmem:s9+$0x7DF0] =	vst v0  }
0x2b: {  	[tilespmem:s9+$0x7C00] =	vst v0  }
0x2c: {  	[tilespmem:s9+$0x7C10] =	vst v0  }
0x2d: {  	[tilespmem:s9+$0x7C20] =	vst v0  }
0x2e: {  	[tilespmem:s9+$0x7C30] =	vst v0  }
0x2f: {  	[tilespmem:s9+$0x7C40] =	vst v0  }
0x30: {  	[tilespmem:s9+$0x7C50] =	vst v0  }
0x31: {  	[tilespmem:s9+$0x7C60] =	vst v0  }
0x32: {  	[tilespmem:s9+$0x7C70] =	vst v0  }
0x33: {  	[tilespmem:s9+$0x7C80] =	vst v0  }
0x34: {  	[tilespmem:s9+$0x7C90] =	vst v0  }
0x35: {  	[tilespmem:s9+$0x7CA0] =	vst v0  }
0x36: {  	[tilespmem:s9+$0x7CB0] =	vst v0  }
0x37: {  	[tilespmem:s9+$0x7CC0] =	vst v0  }
0x38: {  	[tilespmem:s9+$0x7CD0] =	vst v0  }
0x39: {  	[tilespmem:s9+$0x7CE0] =	vst v0  }
0x3a: {  	[tilespmem:s9+$0x7CF0] =	vst v0  }
0x3b: {  	[tilespmem:s9+$0x7D00] =	vst v0  }
0x3c: {  	[tilespmem:s9+$0x7D10] =	vst v0  }
0x3d: {  	[tilespmem:s9+$0x7D20] =	vst v0  }
0x3e: {  	[tilespmem:s9+$0x7D30] =	vst v0  }
0x3f: {  	[tilespmem:s9+$0x7D40] =	vst v0  }
0x40: {  	[tilespmem:s9+$0x7D50] =	vst v0  }
0x41: {  	[tilespmem:s9+$0x7D60] =	vst v0  }
0x42: {  	[tilespmem:s9+$0x7D70] =	vst v0  }
0x43: {  	[tilespmem:s9+$0x7D80] =	vst v0  }
0x44: {  	[tilespmem:s9+$0x7D90] =	vst v0  }
0x45: {  	[tilespmem:s9+$0x7DA0] =	vst v0  }
0x46: {  	[tilespmem:s9+$0x7DB0] =	vst v0  }
0x47: {  	[tilespmem:s9+$0x7DC0] =	vst v0  }
0x48: {  	[tilespmem:s9+$0x7DD0] =	vst v0  }
0x49: {  	[tilespmem:s9+$0x7DE0] =	vst v0;
	s9 =	simm.s32 $0x0  }
0x4a: {  	[tilespmem:s9], [sflag:$0x1] =	stream.linear.gather [hbm4b:s3+s9], $0x7C00, $0x38;
	[tilespmem:$0x17D00] =	vst v63  }
0x4b: {  	_ =	swait.ge [sflag:s6], $0x7C00  }
0x4c: {  	[sflag:s6] =	ssyncset.done $0x0  }
0x4d: {  	[sflag:s6] =	ssyncadd.s32 $0xFFFF8400  }
.LBB2_4:
0x4e: {  	s10 =	sshra.s32 s9, $0x2  }
0x4f: {  	v2 =	vld [tilespmem:s10+$0x0];
	_ =	sdelay $0x4  }
0x50: {  	v2 =	vmul.f32 $6.553600000e+04, v2;
	_ =	sdelay $0x1  }
0x51: {  	v2 =	vtrunc.f32 v2  }
0x52: {  	v2 =	vcvt.f32.s32 v2;
	_ =	sdelay $0x5  }
0x53: {  	[tilespmem:v2+s7+$0x0] =	vst.idx.add.s32.msk $0xffff, v1  }
0x54: {  	v2 =	vld [tilespmem:s10+$0x10];
	_ =	sdelay $0x4  }
0x55: {  	v2 =	vmul.f32 $6.553600000e+04, v2;
	_ =	sdelay $0x1  }
0x56: {  	v2 =	vtrunc.f32 v2  }
0x57: {  	v2 =	vcvt.f32.s32 v2;
	_ =	sdelay $0x5  }
0x58: {  	[tilespmem:v2+s7+$0x0] =	vst.idx.add.s32.msk $0xffff, v1  }
0x59: {  	v2 =	vld [tilespmem:s10+$0x20];
	_ =	sdelay $0x4  }
0x5a: {  	v2 =	vmul.f32 $6.553600000e+04, v2;
	_ =	sdelay $0x1  }
0x5b: {  	v2 =	vtrunc.f32 v2  }
0x5c: {  	v2 =	vcvt.f32.s32 v2;
	_ =	sdelay $0x5  }
0x5d: {  	[tilespmem:v2+s7+$0x0] =	vst.idx.add.s32.msk $0xffff, v1  }
0x5e: {  	v2 =	vld [tilespmem:s10+$0x30];
	_ =	sdelay $0x4  }
0x5f: {  	v2 =	vmul.f32 $6.553600000e+04, v2;
	_ =	sdelay $0x1  }
0x60: {  	v2 =	vtrunc.f32 v2  }
0x61: {  	v2 =	vcvt.f32.s32 v2;
	_ =	sdelay $0x5  }
0x62: {  	[tilespmem:v2+s7+$0x0] =	vst.idx.add.s32.msk $0xffff, v1  }
0x63: {  	v2 =	vld [tilespmem:s10+$0x40];
	_ =	sdelay $0x4  }
0x64: {  	v2 =	vmul.f32 $6.553600000e+04, v2;
	_ =	sdelay $0x1  }
0x65: {  	v2 =	vtrunc.f32 v2  }
0x66: {  	v2 =	vcvt.f32.s32 v2;
	_ =	sdelay $0x5  }
0x67: {  	[tilespmem:v2+s7+$0x0] =	vst.idx.add.s32.msk $0xffff, v1  }
0x68: {  	v2 =	vld [tilespmem:s10+$0x50];
	_ =	sdelay $0x4  }
0x69: {  	v2 =	vmul.f32 $6.553600000e+04, v2;
	_ =	sdelay $0x1  }
0x6a: {  	v2 =	vtrunc.f32 v2  }
0x6b: {  	v2 =	vcvt.f32.s32 v2;
	_ =	sdelay $0x5  }
0x6c: {  	[tilespmem:v2+s7+$0x0] =	vst.idx.add.s32.msk $0xffff, v1  }
0x6d: {  	v2 =	vld [tilespmem:s10+$0x60];
	_ =	sdelay $0x4  }
0x6e: {  	v2 =	vmul.f32 $6.553600000e+04, v2;
	_ =	sdelay $0x1  }
0x6f: {  	v2 =	vtrunc.f32 v2  }
0x70: {  	v2 =	vcvt.f32.s32 v2;
	_ =	sdelay $0x5  }
0x71: {  	[tilespmem:v2+s7+$0x0] =	vst.idx.add.s32.msk $0xffff, v1  }
0x72: {  	v2 =	vld [tilespmem:s10+$0x70];
	_ =	sdelay $0x4  }
0x73: {  	v2 =	vmul.f32 $6.553600000e+04, v2;
	_ =	sdelay $0x1  }
0x74: {  	v2 =	vtrunc.f32 v2  }
0x75: {  	v2 =	vcvt.f32.s32 v2;
	_ =	sdelay $0x5  }
0x76: {  	[tilespmem:v2+s7+$0x0] =	vst.idx.add.s32.msk $0xffff, v1  }
0x77: {  	v2 =	vld [tilespmem:s10+$0x80];
	_ =	sdelay $0x4  }
0x78: {  	v2 =	vmul.f32 $6.553600000e+04, v2;
	_ =	sdelay $0x1  }
0x79: {  	v2 =	vtrunc.f32 v2  }
0x7a: {  	v2 =	vcvt.f32.s32 v2;
	_ =	sdelay $0x5  }
0x7b: {  	[tilespmem:v2+s7+$0x0] =	vst.idx.add.s32.msk $0xffff, v1  }
0x7c: {  	v2 =	vld [tilespmem:s10+$0x90];
	_ =	sdelay $0x4  }
0x7d: {  	v2 =	vmul.f32 $6.553600000e+04, v2;
	_ =	sdelay $0x1  }
0x7e: {  	v2 =	vtrunc.f32 v2  }
0x7f: {  	v2 =	vcvt.f32.s32 v2;
	_ =	sdelay $0x5  }
0x80: {  	[tilespmem:v2+s7+$0x0] =	vst.idx.add.s32.msk $0xffff, v1  }
0x81: {  	v2 =	vld [tilespmem:s10+$0xA0];
	_ =	sdelay $0x4  }
0x82: {  	v2 =	vmul.f32 $6.553600000e+04, v2;
	_ =	sdelay $0x1  }
0x83: {  	v2 =	vtrunc.f32 v2  }
0x84: {  	v2 =	vcvt.f32.s32 v2;
	_ =	sdelay $0x5  }
0x85: {  	[tilespmem:v2+s7+$0x0] =	vst.idx.add.s32.msk $0xffff, v1  }
0x86: {  	v2 =	vld [tilespmem:s10+$0xB0];
	_ =	sdelay $0x4  }
0x87: {  	v2 =	vmul.f32 $6.553600000e+04, v2;
	_ =	sdelay $0x1  }
0x88: {  	v2 =	vtrunc.f32 v2  }
0x89: {  	v2 =	vcvt.f32.s32 v2;
	_ =	sdelay $0x5  }
0x8a: {  	[tilespmem:v2+s7+$0x0] =	vst.idx.add.s32.msk $0xffff, v1  }
0x8b: {  	v2 =	vld [tilespmem:s10+$0xC0];
	_ =	sdelay $0x4  }
0x8c: {  	v2 =	vmul.f32 $6.553600000e+04, v2;
	_ =	sdelay $0x1  }
0x8d: {  	v2 =	vtrunc.f32 v2  }
0x8e: {  	v2 =	vcvt.f32.s32 v2;
	_ =	sdelay $0x5  }
0x8f: {  	[tilespmem:v2+s7+$0x0] =	vst.idx.add.s32.msk $0xffff, v1  }
0x90: {  	v2 =	vld [tilespmem:s10+$0xD0];
	_ =	sdelay $0x4  }
0x91: {  	v2 =	vmul.f32 $6.553600000e+04, v2;
	_ =	sdelay $0x1  }
0x92: {  	v2 =	vtrunc.f32 v2  }
0x93: {  	v2 =	vcvt.f32.s32 v2;
	_ =	sdelay $0x5  }
0x94: {  	[tilespmem:v2+s7+$0x0] =	vst.idx.add.s32.msk $0xffff, v1  }
0x95: {  	v2 =	vld [tilespmem:s10+$0xE0];
	_ =	sdelay $0x4  }
0x96: {  	v2 =	vmul.f32 $6.553600000e+04, v2;
	_ =	sdelay $0x1  }
0x97: {  	v2 =	vtrunc.f32 v2  }
0x98: {  	v2 =	vcvt.f32.s32 v2;
	_ =	sdelay $0x5  }
0x99: {  	[tilespmem:v2+s7+$0x0] =	vst.idx.add.s32.msk $0xffff, v1  }
0x9a: {  	v2 =	vld [tilespmem:s10+$0xF0];
	_ =	sdelay $0x4  }
0x9b: {  	v2 =	vmul.f32 $6.553600000e+04, v2;
	_ =	sdelay $0x1  }
0x9c: {  	v2 =	vtrunc.f32 v2  }
0x9d: {  	v2 =	vcvt.f32.s32 v2;
	_ =	sdelay $0x5  }
0x9e: {  	[tilespmem:v2+s7+$0x0] =	vst.idx.add.s32.msk $0xffff, v1  }
0x9f: {  	v2 =	vld [tilespmem:s10+$0x100];
	_ =	sdelay $0x4  }
0xa0: {  	v2 =	vmul.f32 $6.553600000e+04, v2;
	_ =	sdelay $0x1  }
0xa1: {  	v2 =	vtrunc.f32 v2  }
0xa2: {  	v2 =	vcvt.f32.s32 v2;
	_ =	sdelay $0x5  }
0xa3: {  	[tilespmem:v2+s7+$0x0] =	vst.idx.add.s32.msk $0xffff, v1  }
0xa4: {  	v2 =	vld [tilespmem:s10+$0x110];
	_ =	sdelay $0x4  }
0xa5: {  	v2 =	vmul.f32 $6.553600000e+04, v2;
	_ =	sdelay $0x1  }
0xa6: {  	v2 =	vtrunc.f32 v2  }
0xa7: {  	v2 =	vcvt.f32.s32 v2;
	_ =	sdelay $0x5  }
0xa8: {  	[tilespmem:v2+s7+$0x0] =	vst.idx.add.s32.msk $0xffff, v1  }
0xa9: {  	v2 =	vld [tilespmem:s10+$0x120];
	_ =	sdelay $0x4  }
0xaa: {  	v2 =	vmul.f32 $6.553600000e+04, v2;
	_ =	sdelay $0x1  }
0xab: {  	v2 =	vtrunc.f32 v2  }
0xac: {  	v2 =	vcvt.f32.s32 v2;
	_ =	sdelay $0x5  }
0xad: {  	[tilespmem:v2+s7+$0x0] =	vst.idx.add.s32.msk $0xffff, v1  }
0xae: {  	v2 =	vld [tilespmem:s10+$0x130];
	_ =	sdelay $0x4  }
0xaf: {  	v2 =	vmul.f32 $6.553600000e+04, v2;
	_ =	sdelay $0x1  }
0xb0: {  	v2 =	vtrunc.f32 v2  }
0xb1: {  	v2 =	vcvt.f32.s32 v2;
	_ =	sdelay $0x5  }
0xb2: {  	[tilespmem:v2+s7+$0x0] =	vst.idx.add.s32.msk $0xffff, v1  }
0xb3: {  	v2 =	vld [tilespmem:s10+$0x140];
	_ =	sdelay $0x4  }
0xb4: {  	v2 =	vmul.f32 $6.553600000e+04, v2;
	_ =	sdelay $0x1  }
0xb5: {  	v2 =	vtrunc.f32 v2  }
0xb6: {  	v2 =	vcvt.f32.s32 v2;
	_ =	sdelay $0x5  }
0xb7: {  	[tilespmem:v2+s7+$0x0] =	vst.idx.add.s32.msk $0xffff, v1  }
0xb8: {  	v2 =	vld [tilespmem:s10+$0x150];
	_ =	sdelay $0x4  }
0xb9: {  	v2 =	vmul.f32 $6.553600000e+04, v2;
	_ =	sdelay $0x1  }
0xba: {  	v2 =	vtrunc.f32 v2  }
0xbb: {  	v2 =	vcvt.f32.s32 v2;
	_ =	sdelay $0x5  }
0xbc: {  	[tilespmem:v2+s7+$0x0] =	vst.idx.add.s32.msk $0xffff, v1  }
0xbd: {  	v2 =	vld [tilespmem:s10+$0x160];
	_ =	sdelay $0x4  }
0xbe: {  	v2 =	vmul.f32 $6.553600000e+04, v2;
	_ =	sdelay $0x1  }
0xbf: {  	v2 =	vtrunc.f32 v2  }
0xc0: {  	v2 =	vcvt.f32.s32 v2;
	_ =	sdelay $0x5  }
0xc1: {  	[tilespmem:v2+s7+$0x0] =	vst.idx.add.s32.msk $0xffff, v1  }
0xc2: {  	v2 =	vld [tilespmem:s10+$0x170];
	_ =	sdelay $0x4  }
0xc3: {  	v2 =	vmul.f32 $6.553600000e+04, v2;
	_ =	sdelay $0x1  }
0xc4: {  	v2 =	vtrunc.f32 v2  }
0xc5: {  	v2 =	vcvt.f32.s32 v2;
	_ =	sdelay $0x5  }
0xc6: {  	[tilespmem:v2+s7+$0x0] =	vst.idx.add.s32.msk $0xffff, v1  }
0xc7: {  	v2 =	vld [tilespmem:s10+$0x180];
	_ =	sdelay $0x4  }
0xc8: {  	v2 =	vmul.f32 $6.553600000e+04, v2;
	_ =	sdelay $0x1  }
0xc9: {  	v2 =	vtrunc.f32 v2  }
0xca: {  	v2 =	vcvt.f32.s32 v2;
	_ =	sdelay $0x5  }
0xcb: {  	[tilespmem:v2+s7+$0x0] =	vst.idx.add.s32.msk $0xffff, v1  }
0xcc: {  	v2 =	vld [tilespmem:s10+$0x190];
	_ =	sdelay $0x4  }
0xcd: {  	v2 =	vmul.f32 $6.553600000e+04, v2;
	_ =	sdelay $0x1  }
0xce: {  	v2 =	vtrunc.f32 v2  }
0xcf: {  	v2 =	vcvt.f32.s32 v2;
	_ =	sdelay $0x5  }
0xd0: {  	[tilespmem:v2+s7+$0x0] =	vst.idx.add.s32.msk $0xffff, v1  }
0xd1: {  	v2 =	vld [tilespmem:s10+$0x1A0];
	_ =	sdelay $0x4  }
0xd2: {  	v2 =	vmul.f32 $6.553600000e+04, v2;
	_ =	sdelay $0x1  }
0xd3: {  	v2 =	vtrunc.f32 v2  }
0xd4: {  	v2 =	vcvt.f32.s32 v2;
	_ =	sdelay $0x5  }
0xd5: {  	[tilespmem:v2+s7+$0x0] =	vst.idx.add.s32.msk $0xffff, v1  }
0xd6: {  	v2 =	vld [tilespmem:s10+$0x1B0];
	_ =	sdelay $0x4  }
0xd7: {  	v2 =	vmul.f32 $6.553600000e+04, v2;
	_ =	sdelay $0x1  }
0xd8: {  	v2 =	vtrunc.f32 v2  }
0xd9: {  	v2 =	vcvt.f32.s32 v2;
	_ =	sdelay $0x5  }
0xda: {  	[tilespmem:v2+s7+$0x0] =	vst.idx.add.s32.msk $0xffff, v1  }
0xdb: {  	v2 =	vld [tilespmem:s10+$0x1C0];
	_ =	sdelay $0x4  }
0xdc: {  	v2 =	vmul.f32 $6.553600000e+04, v2;
	_ =	sdelay $0x1  }
0xdd: {  	v2 =	vtrunc.f32 v2  }
0xde: {  	v2 =	vcvt.f32.s32 v2;
	_ =	sdelay $0x5  }
0xdf: {  	[tilespmem:v2+s7+$0x0] =	vst.idx.add.s32.msk $0xffff, v1  }
0xe0: {  	v2 =	vld [tilespmem:s10+$0x1D0];
	_ =	sdelay $0x4  }
0xe1: {  	v2 =	vmul.f32 $6.553600000e+04, v2;
	_ =	sdelay $0x1  }
0xe2: {  	v2 =	vtrunc.f32 v2  }
0xe3: {  	v2 =	vcvt.f32.s32 v2;
	_ =	sdelay $0x5  }
0xe4: {  	[tilespmem:v2+s7+$0x0] =	vst.idx.add.s32.msk $0xffff, v1  }
0xe5: {  	v2 =	vld [tilespmem:s10+$0x1E0];
	_ =	sdelay $0x4  }
0xe6: {  	v2 =	vmul.f32 $6.553600000e+04, v2;
	_ =	sdelay $0x1  }
0xe7: {  	v2 =	vtrunc.f32 v2  }
0xe8: {  	v2 =	vcvt.f32.s32 v2;
	_ =	sdelay $0x5  }
0xe9: {  	[tilespmem:v2+s7+$0x0] =	vst.idx.add.s32.msk $0xffff, v1  }
0xea: {  	v2 =	vld [tilespmem:s10+$0x1F0];
	_ =	sdelay $0x4  }
0xeb: {  	v2 =	vmul.f32 $6.553600000e+04, v2;
	_ =	sdelay $0x1  }
0xec: {  	v2 =	vtrunc.f32 v2  }
0xed: {  	v2 =	vcvt.f32.s32 v2  }
0xee: {  	p0 =	sne.s32 s9, $0x1E800  }
.Ltmp1:
0xef: {  	_ = 	snop;
	(pc) =	sbr.rel @p0 .LBB2_4-.Ltmp1, $2  }
0xf0: {  	_ =	sdelay $0x2  }
0xf1: {  	s9 =	sadd.s32 $0x800, s9;
	[tilespmem:v2+s7+$0x0] =	vst.idx.add.s32.msk $0xffff, v1  }
0xf2: {  	s8 =	sadd.s32 $0x1, s8  }
0xf3: {  	p0 =	sne.s32 s8, s5  }
.Ltmp2:
0xf4: {  	_ = 	snop;
	(pc) =	sbr.rel @p0 .LBB2_1-.Ltmp2, $4  }
0xf5: {  	[hbm4b:s4+s2] =	stream.linear.scatter [tilespmem:s7], [sflag:$0x1], $0x10000, $0x38;
	[tilespmem:$0x17D00] =	vst v63  }
0xf6: {  	_ =	swait.ge [sflag:s6], $0x10000  }
0xf7: {  	[sflag:s6] =	ssyncset.done $0x0  }
0xf8: {  	[sflag:s6] =	ssyncadd.s32 $0xFFFF0000  }
0xf9: {  	_ =	sfence.sel $0x180000  }
0xfa: {  	[bflag:$0x0] =	sbarrier.arrive $0xFFFF  }
0xfb: {  	p0 =	sne.s32 s0, $0x0;
	_ =	strace $0x90000047  }
0xfc: {  	s0 =	sadd.s32 @!p0 $0x100000, s1;
	[bflag:$0x2] =	sbarrier.arrive $0xFFFF  }
0xfd: {  	[sflag:s0] =	ssyncadd.tile.s32 @!p0 $0x1;
	_ =	shalt  }
.Lfunc_end2:
_tile_overlayer_lowered:
.L_overlay_start_2:
0xfe: {  	(tag) =	ssettag $0x2  }
0xff: {  	s0 =	rddreg [dreg:$0x0];
	s2 =	stileid.u32  }
0x100: {  	s1 =	rddreg [dreg:$0x1];
	p0 =	sne.s32 s2, $0x0  }
0x101: {  	s3 =	rddreg [dreg:$0x2];
	[bflag:$0x3] =	sbarrier.arrive $0xFFFF;
	s2 =	simm.s32 @!p0 $0x1C01  }
0x102: {  	[timem:s3], [sflag:s2] =	dma.local @!p0 [hbm:s0], s1  }
0x103: {  	s0 =	simm.s32 @!p0 $0x1  }
0x104: {  	_ =	swait.ge @!p0 [sflag:s0], s1  }
0x105: {  	s1 =	ssub.s32 @!p0 $0x0, s1;
	[sflag:s0] =	ssyncset.done @!p0 $0x0  }
0x106: {  	[sflag:s0] =	ssyncadd.s32 @!p0 s1  }
0x107: {  	[bflag:$0x3] =	sbarrier.arrive $0xFFFF  }
0x108: {  	_ =	shalt  }

// kernel: kernel.9.cloned.1.call-start
scs
__scs_entry_jumppad:
0x0: {  	(pc) =	sbr.rel $0x88, $3  }
0x1: {  	(tag) =	ssettag $0x0;
	lr =	simm.s32 $0x1  }
0x2: {  	[smem:$0x3F9F] =	sst lr;
	_ =	strace $0xD0000000  }
0x3: {  	_ = 	snop  }
0x4: {  	_ = 	snop  }
0x5: {  	_ = 	snop  }
0x6: {  	_ = 	snop  }
0x7: {  	_ = 	snop  }
__scs_overlays_trampoline_lowered:
0x8: {  	[smem:$0x3FAE] =	sst s0  }
0x9: {  	[smem:$0x3FAF] =	sst s1  }
0xa: {  	[smem:$0x3FB0] =	sst s2  }
0xb: {  	[smem:$0x3FB1] =	sst s3  }
0xc: {  	[smem:$0x3FB2] =	sst s4  }
0xd: {  	[smem:$0x3FB3] =	sst s5  }
0xe: {  	[smem:$0x3FB4] =	sst s6  }
0xf: {  	[smem:$0x3FB5] =	sst s7  }
0x10: {  	[smem:$0x3FB6] =	sst s8  }
0x11: {  	[smem:$0x3FB7] =	sst s9;
	s0 =	simm.s32 @!p0 $0x0  }
0x12: {  	s1 =	sld [smem:$0x3F9D];
	s0 =	simm.s32 @p0 $0x1  }
0x13: {  	[smem:$0x3FB8] =	sst s0;
	s0 =	simm.s32 @!p1 $0x0  }
0x14: {  	s2 =	sld [smem:$0x3F9C];
	s0 =	simm.s32 @p1 $0x1  }
0x15: {  	[smem:$0x3FB9] =	sst s0;
	s0 =	simm.s32 @!p2 $0x0  }
0x16: {  	s3 =	sld [smem:$0x3FDB];
	s0 =	simm.s32 @p2 $0x1  }
0x17: {  	s4 =	simm.s32 $0x1BF5;
	[smem:$0x3FBB] =	sst s0  }
0x18: {  	s0 =	sld [smem:$0x3F9E];
	_ =	swait.ge [sflag:s4], $0x0  }
0x19: {  	s7 =	sld [smem:$0x3F9F]  }
0x1a: {  	s8 =	sadd.s32 $0xFFFFE003, lr  }
0x1b: {  	s9 =	sadd.s32 $0xFFFFFEF7, lr;
	s5 =	simm.s32 $0xFFFFFFFF;
	p2 =	slt.u32 s8, $0xFFFFF086  }
0x1c: {  	p1 =	slt.u32 s9, $0xF7A;
	s5 =	simm.s32 @!p2 $0x0  }
0x1d: {  	s5 =	simm.s32 @p1 $0x1;
	p0 =	seq.s32 s7, s2  }
0x1e: {  	s7 =	smul.u32 @!p0 $0xF7A, s2;
	p2 =	seq.s32 @!p0 s5, $0x0  }
0x1f: {  	s9 =	smul.u32 $0xF7A, s1;
	s8 =	simm.s32 @!p0 $0x1BF5;
	p2 =	por !p2, p0  }
0x20: {  	[sflag:s8] =	ssyncset.s32 @!p0 $0xFFFFF086;
	s6 =	sadd.s32 @!p0 s3, s7;
	s7 =	simm.s32 @!p0 $0x108  }
0x21: {  	s3 =	sadd.s32 s3, s9;
	s6 =	sadd.s32 @!p0 $0x88, s6;
	s7 =	simm.s32 @p2 $0x1082  }
0x22: {  	[simem:s7], [sflag:s8] =	dma.local @!p0 [hbm:s6], $0xF7A  }
0x23: {  	s9 =	sor.u32 $0xD0000000, s2;
	s6 =	simm.s32 $0x108;
	_ =	swait.ge @!p0 [sflag:s8], $0x0  }
0x24: {  	s3 =	sadd.s32 $0x88, s3;
	s6 =	simm.s32 @!p1 $0x1082;
	[sflag:s4] =	ssyncset.s32 $0xFFFFF086  }
0x25: {  	[simem:s6], [sflag:s4] =	dma.local [hbm:s3], $0xF7A  }
0x26: {  	[smem:$0x3F9F] =	sst s1;
	(tag) =	ssettag s2;
	_ =	strace s9  }
0x27: {  	s1 =	sld [smem:$0x3FAF]  }
0x28: {  	s2 =	sld [smem:$0x3FB0]  }
0x29: {  	s4 =	sld [smem:$0x3FB2]  }
0x2a: {  	p0 =	seq.s32 s5, $0x0;
	s5 =	sld [smem:$0x3FB3]  }
0x2b: {  	s6 =	sld [smem:$0x3FB4]  }
0x2c: {  	s7 =	sld [smem:$0x3FB5]  }
0x2d: {  	s3 =	simm.s32 $0x108;
	s8 =	sld [smem:$0x3FB6]  }
0x2e: {  	s3 =	simm.s32 @!p0 $0x1082;
	s9 =	sld [smem:$0x3FB7]  }
0x2f: {  	lr =	sadd.s32 s0, s3;
	s0 =	sld [smem:$0x3FAE]  }
0x30: {  	s3 =	sld [smem:$0x3FB1]  }
0x31: {  	[smem:$0x3FBA] =	sst s10  }
0x32: {  	s10 =	sld [smem:$0x3FB8];
	_ =	sdelay $0x3  }
0x33: {  	p0 =	seq.s32 s10, $0x1;
	s10 =	sld [smem:$0x3FBA];
	_ =	sdelay $0x3  }
0x34: {  	[smem:$0x3FBA] =	sst s10  }
0x35: {  	s10 =	sld [smem:$0x3FB9];
	_ =	sdelay $0x3  }
0x36: {  	p1 =	seq.s32 s10, $0x1;
	s10 =	sld [smem:$0x3FBA];
	_ =	sdelay $0x3  }
0x37: {  	[smem:$0x3FBA] =	sst s10  }
0x38: {  	s10 =	sld [smem:$0x3FBB]  }
0x39: {  	_ = 	snop;
	(pc) =	sbr.ind lr, $3  }
0x3a: {  	_ = 	snop  }
0x3b: {  	_ = 	snop  }
0x3c: {  	p2 =	seq.s32 s10, $0x1;
	s10 =	sld [smem:$0x3FBA]  }
0x3d: {  	_ =	shalt  }
0x3e: {  	_ =	shalt  }
0x3f: {  	_ =	shalt  }
0x40: {  	_ =	shalt  }
0x41: {  	_ =	shalt  }
0x42: {  	_ =	shalt  }
0x43: {  	_ =	shalt  }
0x44: {  	_ =	shalt  }
0x45: {  	_ =	shalt  }
0x46: {  	_ =	shalt  }
0x47: {  	_ =	shalt  }
0x48: {  	_ =	shalt  }
0x49: {  	_ =	shalt  }
0x4a: {  	_ =	shalt  }
0x4b: {  	_ =	shalt  }
0x4c: {  	_ =	shalt  }
0x4d: {  	_ =	shalt  }
0x4e: {  	_ =	shalt  }
0x4f: {  	_ =	shalt  }
0x50: {  	_ =	shalt  }
0x51: {  	_ =	shalt  }
0x52: {  	_ =	shalt  }
0x53: {  	_ =	shalt  }
0x54: {  	_ =	shalt  }
0x55: {  	_ =	shalt  }
0x56: {  	_ =	shalt  }
0x57: {  	_ =	shalt  }
0x58: {  	_ =	shalt  }
0x59: {  	_ =	shalt  }
0x5a: {  	_ =	shalt  }
0x5b: {  	_ =	shalt  }
0x5c: {  	_ =	shalt  }
0x5d: {  	_ =	shalt  }
0x5e: {  	_ =	shalt  }
0x5f: {  	_ =	shalt  }
0x60: {  	_ =	shalt  }
0x61: {  	_ =	shalt  }
0x62: {  	_ =	shalt  }
0x63: {  	_ =	shalt  }
0x64: {  	_ =	shalt  }
0x65: {  	_ =	shalt  }
0x66: {  	_ =	shalt  }
0x67: {  	_ =	shalt  }
0x68: {  	_ =	shalt  }
0x69: {  	_ =	shalt  }
0x6a: {  	_ =	shalt  }
0x6b: {  	_ =	shalt  }
0x6c: {  	_ =	shalt  }
0x6d: {  	_ =	shalt  }
0x6e: {  	_ =	shalt  }
0x6f: {  	_ =	shalt  }
0x70: {  	_ =	shalt  }
0x71: {  	_ =	shalt  }
0x72: {  	_ =	shalt  }
0x73: {  	_ =	shalt  }
0x74: {  	_ =	shalt  }
0x75: {  	_ =	shalt  }
0x76: {  	_ =	shalt  }
0x77: {  	_ =	shalt  }
0x78: {  	_ =	shalt  }
0x79: {  	_ =	shalt  }
0x7a: {  	_ =	shalt  }
0x7b: {  	_ =	shalt  }
0x7c: {  	_ =	shalt  }
0x7d: {  	_ =	shalt  }
0x7e: {  	_ =	shalt  }
0x7f: {  	_ =	shalt  }
0x80: {  	_ =	shalt  }
0x81: {  	_ =	shalt  }
0x82: {  	_ =	shalt  }
0x83: {  	_ =	shalt  }
0x84: {  	_ =	shalt  }
0x85: {  	_ =	shalt  }
0x86: {  	_ =	shalt  }
0x87: {  	_ =	shalt  }
.Lfunc_end0:
.L_simem_size_0:
called_computation.1_lowered:
.L_overlay_start_0:
0x88: {  	s2 =	sld [smem:$0x3FD9]  }
0x89: {  	s3 =	sld [smem:$0x3FFE];
	_ =	sdelay $0x1  }
0x8a: {  	s1 =	srdreg.scid  }
0x8b: {  	s0 =	sand.u32 $0x1, s1  }
0x8c: {  	s16 =	sshll.u32 s0, $0xA;
	s2 =	sadd.s32 s3, s2  }
0x8d: {  	s2 =	sadd.s32 s2, s16  }
0x8e: {  	[smem:$0x3FC6] =	sst s2  }
0x8f: {  	_ = 	snop  }
0x90: {  	(tm) =	ssettm $0x1  }
0x91: {  	s17 =	sld [smem:$0x3FFB];
	_ =	sdelay $0x3  }
0x92: {  	_ =	strace s17  }
0x93: {  	s2 =	sld [smem:$0x3FFC];
	_ =	sdelay $0x3  }
0x94: {  	_ =	strace s2  }
0x95: {  	s2 =	sld [smem:$0x3FFD];
	_ =	sdelay $0x3  }
0x96: {  	_ =	strace s2  }
0x97: {  	_ =	strace $0x8FFFFFFF  }
0x98: {  	s18 =	sld [smem:$0x3FDB];
	_ =	sdelay $0x1  }
0x99: {  	s19 =	simm.s32 $_scs_section_size  }
0x9a: {  	s4 =	simm.s32 $_size__tile_overlayer_lowered;
	s5 =	simm.s32 $_tile_overlayer_lowered  }
0x9b: {  	s22 =	simm.s32 $0x1BFF;
	s21 =	sshll.u32 s5, $0x1;
	s2 =	sadd.s32 s19, s18  }
0x9c: {  	s6 =	simm.s32 $0x0;
	s20 =	sshll.u32 s4, $0x1;
	s4 =	sadd.s32 s21, s2  }
0x9d: {  	[timem:s6], [sflag:s22] =	dma.local [hbm:s4], s20  }
0x9e: {  	_ =	swait.ge [sflag:s22], s20  }
0x9f: {  	s3 =	ssub.s32 $0x0, s20;
	[sflag:s22] =	ssyncset.done $0x0  }
0xa0: {  	[sflag:s22] =	ssyncadd.s32 s3;
	_ =	sdelay $0x1  }
0xa1: {  	s23 =	simm.s32 $0x1B8B  }
0xa2: {  	_ =	swait.ge [sflag:s23], $0x1  }
0xa3: {  	[sflag:s23] =	ssyncset.done $0x0  }
0xa4: {  	s25 =	simm.s32 $0x1B8E;
	s24 =	sld [smem:$0x3FFE];
	[sflag:s23] =	ssyncadd.s32 $0xFFFFFFFF  }
0xa5: {  	s26 =	simm.s32 $execute0_lowered;
	[smem:$0x3FD2] =	sst s25  }
0xa6: {  	s4 =	sshll.u32 s26, $0x1;
	_ =	strace $0x80000049;
	[dreg:$0x1] =	wrdreg $0xFFFFFFFF  }
0xa7: {  	s28 =	simm.s32 $_size_execute0_lowered;
	s2 =	sadd.s32 s2, s4;
	[dreg:$0x0] =	wrdreg $0x0  }
0xa8: {  	s4 =	sshll.u32 s28, $0x1;
	[dreg:$0x2] =	wrdreg s2  }
0xa9: {  	[dreg:$0x3] =	wrdreg s4  }
0xaa: {  	[dreg:$0x4] =	wrdreg $0xC0  }
0xab: {  	_ =	task [dreg:s6], $0x5FFFF  }
0xac: {  	[dreg:$0x1] =	wrdreg $0xFFFFFFFF  }
0xad: {  	[dreg:$0x0] =	wrdreg $0x60  }
0xae: {  	[dreg:$0x2] =	wrdreg s24  }
0xaf: {  	[dreg:$0x3] =	wrdreg $0x9  }
0xb0: {  	_ =	task.clear_ibuf [dreg:s6], $0x4FFFF;
	_ =	strace $0x90000049  }
0xb1: {  	s29 =	simm.s32 $0x9;
	_ =	strace $0x8000004B  }
0xb2: {  	_ =	swait.ge [sflag:s29], $0x1  }
0xb3: {  	[sflag:s29] =	ssyncadd.s32 $0xFFFFFFFF  }
0xb4: {  	_ =	strace $0x9000004B  }
0xb5: {  	_ =	sfence  }
0xb6: {  	s30 =	sld [smem:$0x0];
	_ =	sdelay $0x2  }
0xb7: {  	s31 =	sshll.u32 s1, $0xD;
	s1 =	sshrl.u32 s1, $0x2  }
0xb8: {  	s3 =	sand.u32 $0x4000, s31;
	s1 =	sadd.s32 s1, s30  }
0xb9: {  	s0 =	sor.u32 s3, s0;
	s1 =	sshll.u32 s1, $0x11  }
0xba: {  	s0 =	sor.u32 s1, s0  }
0xbb: {  	s0 =	sadd.s32 $0x8F2B, s0  }
0xbc: {  	[sflag:s0] =	ssyncadd.remote.s32 $0x1  }
0xbd: {  	_ =	sfence.sel $0xFFFF  }
0xbe: {  	[dreg:$0x0] =	wrdreg $0xFFFFFFFF;
	(pc) =	sbr.abs _section_cstart, $3  }
0xbf: {  	[dreg:$0x1] =	wrdreg $0xFFFFFFFF  }
0xc0: {  	_ =	task.clear_ibuf [dreg:s6], $0x2FFFF;
	_ =	strace $0x9FFFFFFF  }
0xc1: {  	(tm) =	ssettm $0x7FFFFFFF  }
tec
execute0_lowered:
.L_overlay_start_1:
0x0: {  	(tag) =	ssettag $0x1  }
0x1: {  	s1 =	srdreg.scid  }
0x2: {  	s0 =	stileid.u32;
	s4 =	rddreg [dreg:$0x0];
	s2 =	simm.s32 $0x0  }
0x3: {  	s9 =	simm.s32 $0x10100;
	s3 =	sand.u32 $0x1, s1;
	s5 =	sshll.u32 s0, $0x1  }
0x4: {  	s10 =	simm.s32 $0x0;
	s1 =	rddreg [dreg:$0x1];
	s5 =	sor.u32 s3, s5  }
0x5: {  	[smem:$0x7FF] =	sst s2;
	s7 =	ssub.s32 $0x2, s3;
	s6 =	smul.u32 $0xF80, s5  }
0x6: {  	_ =	strace $0x8000004A;
	s5 =	smul.u32 $0xA00, s5;
	s8 =	sshrl.u32 s7, $0x1  }
0x7: {  	s3 =	sadd.s32 $0x1FA00, s4;
	s7 =	ssub.s32 s7, s8;
	s6 =	sadd.s32 s6, s4  }
0x8: {  	s8 =	simm.s32 $0x15100;
	s5 =	sadd.s32 s5, s4;
	s4 =	sadd.s32 $0xA00, s6  }
0x9: {  	v0 =	vimm.f32 $0.0e+00;
	s5 =	sadd.s32 $0x21C00, s5;
	s6 =	smax.u32 s7, $0x1;
	s7 =	simm.s32 $0x1  }
.LBB2_1:
0xa: {  	s11 =	simm.s32 $0x0;
	s12 =	simm.s32 $0x800  }
.LBB2_2:
0xb: {  	p0 =	sne.s32 s12, $0x13800;
	[tilespmem:s11+$0x102F0] =	vst v0  }
0xc: {  	[tilespmem:s11+$0x10100] =	vst v0  }
0xd: {  	[tilespmem:s11+$0x10110] =	vst v0  }
0xe: {  	[tilespmem:s11+$0x10120] =	vst v0  }
0xf: {  	[tilespmem:s11+$0x10130] =	vst v0  }
0x10: {  	[tilespmem:s11+$0x10140] =	vst v0  }
0x11: {  	[tilespmem:s11+$0x10150] =	vst v0  }
0x12: {  	[tilespmem:s11+$0x10160] =	vst v0  }
0x13: {  	[tilespmem:s11+$0x10170] =	vst v0  }
0x14: {  	[tilespmem:s11+$0x10180] =	vst v0  }
0x15: {  	[tilespmem:s11+$0x10190] =	vst v0  }
0x16: {  	[tilespmem:s11+$0x101A0] =	vst v0  }
0x17: {  	[tilespmem:s11+$0x101B0] =	vst v0  }
0x18: {  	[tilespmem:s11+$0x101C0] =	vst v0  }
0x19: {  	[tilespmem:s11+$0x101D0] =	vst v0  }
0x1a: {  	[tilespmem:s11+$0x101E0] =	vst v0  }
0x1b: {  	[tilespmem:s11+$0x101F0] =	vst v0  }
0x1c: {  	[tilespmem:s11+$0x10200] =	vst v0  }
0x1d: {  	[tilespmem:s11+$0x10210] =	vst v0  }
0x1e: {  	[tilespmem:s11+$0x10220] =	vst v0  }
0x1f: {  	[tilespmem:s11+$0x10230] =	vst v0  }
0x20: {  	[tilespmem:s11+$0x10240] =	vst v0  }
0x21: {  	[tilespmem:s11+$0x10250] =	vst v0  }
0x22: {  	[tilespmem:s11+$0x10260] =	vst v0  }
0x23: {  	[tilespmem:s11+$0x10270] =	vst v0  }
0x24: {  	[tilespmem:s11+$0x10280] =	vst v0  }
0x25: {  	[tilespmem:s11+$0x10290] =	vst v0  }
.Ltmp0:
0x26: {  	[tilespmem:s11+$0x102A0] =	vst v0;
	(pc) =	sbr.rel @p0 .LBB2_2-.Ltmp0, $4  }
0x27: {  	[tilespmem:s11+$0x102B0] =	vst v0  }
0x28: {  	[tilespmem:s11+$0x102C0] =	vst v0  }
0x29: {  	[tilespmem:s11+$0x102D0] =	vst v0  }
0x2a: {  	[tilespmem:s11+$0x102E0] =	vst v0;
	s11 =	sshra.s32 s12, $0x2;
	s12 =	sadd.s32 $0x800, s12  }
0x2b: {  	[tilespmem:s11+$0x102F0] =	vst v0  }
0x2c: {  	[tilespmem:s11+$0x10100] =	vst v0  }
0x2d: {  	[tilespmem:s11+$0x10110] =	vst v0  }
0x2e: {  	[tilespmem:s11+$0x10120] =	vst v0  }
0x2f: {  	[tilespmem:s11+$0x10130] =	vst v0  }
0x30: {  	[tilespmem:s11+$0x10140] =	vst v0  }
0x31: {  	[tilespmem:s11+$0x10150] =	vst v0  }
0x32: {  	[tilespmem:s11+$0x10160] =	vst v0  }
0x33: {  	[tilespmem:s11+$0x10170] =	vst v0  }
0x34: {  	[tilespmem:s11+$0x10180] =	vst v0  }
0x35: {  	[tilespmem:s11+$0x10190] =	vst v0  }
0x36: {  	[tilespmem:s11+$0x101A0] =	vst v0  }
0x37: {  	[tilespmem:s11+$0x101B0] =	vst v0  }
0x38: {  	[tilespmem:s11+$0x101C0] =	vst v0  }
0x39: {  	[tilespmem:s11+$0x101D0] =	vst v0  }
0x3a: {  	[tilespmem:s11+$0x101E0] =	vst v0  }
0x3b: {  	[tilespmem:s11+$0x101F0] =	vst v0  }
0x3c: {  	[tilespmem:s11+$0x10200] =	vst v0  }
0x3d: {  	[tilespmem:s11+$0x10210] =	vst v0  }
0x3e: {  	[tilespmem:s11+$0x10220] =	vst v0  }
0x3f: {  	[tilespmem:s11+$0x10230] =	vst v0  }
0x40: {  	[tilespmem:s11+$0x10240] =	vst v0  }
0x41: {  	[tilespmem:s11+$0x10250] =	vst v0  }
0x42: {  	[tilespmem:s11+$0x10260] =	vst v0  }
0x43: {  	[tilespmem:s11+$0x10270] =	vst v0  }
0x44: {  	[tilespmem:s11+$0x10280] =	vst v0  }
0x45: {  	[tilespmem:s11+$0x10290] =	vst v0  }
0x46: {  	[tilespmem:s11+$0x102A0] =	vst v0  }
0x47: {  	[tilespmem:s11+$0x102B0] =	vst v0  }
0x48: {  	[tilespmem:s11+$0x102C0] =	vst v0  }
0x49: {  	[tilespmem:s11+$0x102D0] =	vst v0  }
0x4a: {  	[tilespmem:s11+$0x102E0] =	vst v0;
	s11 =	simm.s32 $0x0  }
0x4b: {  	[tilespmem:s11], [sflag:$0x1] =	stream.linear.gather [hbm4b:s3+s11], $0x10100, $0x38;
	[tilespmem:$0x1CD00] =	vst v63  }
0x4c: {  	_ =	swait.ge [sflag:s7], $0x10100  }
0x4d: {  	[sflag:s7] =	ssyncset.done $0x0  }
0x4e: {  	[sflag:s7] =	ssyncadd.s32 $0xFFFEFF00  }
0x4f: {  	[tilespmem:s8], [sflag:$0x1] =	stream.linear.gather [hbm4b:s4+s11], $0x7C00, $0x38;
	[tilespmem:$0x1CD00] =	vst v63  }
0x50: {  	_ =	swait.ge [sflag:s7], $0x7C00  }
0x51: {  	[sflag:s7] =	ssyncset.done $0x0  }
0x52: {  	[sflag:s7] =	ssyncadd.s32 $0xFFFF8400  }
.LBB2_4:
0x53: {  	s12 =	sshra.s32 s11, $0x2  }
0x54: {  	v1 =	vld [tilespmem:s12+$0x15100];
	_ =	sdelay $0x4  }
0x55: {  	v2 =	vmul.f32 $6.553600000e+04, v1;
	_ =	sdelay $0x1  }
0x56: {  	v2 =	vtrunc.f32 v2  }
0x57: {  	v2 =	vcvt.f32.s32 v2;
	_ =	sdelay $0x5  }
0x58: {  	v2 =	vld.idx.msk [tilespmem:v2+s2+$0x0], $0xffff;
	_ =	sdelay $0x2  }
0x59: {  	v3 =	vand.u32 $0x1, v1  }
0x5a: {  	v3 =	vcvt.s32.f32 v3;
	_ =	sdelay $0x1  }
0x5b: {  	v1 =	vsub.f32 v3, v1;
	_ =	sdelay $0x1  }
0x5c: {  	[tilespmem:v2+s9+$0x0] =	vst.idx.add.f32.msk $0xffff, v1  }
0x5d: {  	v1 =	vld [tilespmem:s12+$0x15110];
	_ =	sdelay $0x4  }
0x5e: {  	v2 =	vmul.f32 $6.553600000e+04, v1;
	_ =	sdelay $0x1  }
0x5f: {  	v2 =	vtrunc.f32 v2  }
0x60: {  	v2 =	vcvt.f32.s32 v2;
	_ =	sdelay $0x5  }
0x61: {  	v2 =	vld.idx.msk [tilespmem:v2+s2+$0x0], $0xffff;
	_ =	sdelay $0x2  }
0x62: {  	v3 =	vand.u32 $0x1, v1  }
0x63: {  	v3 =	vcvt.s32.f32 v3;
	_ =	sdelay $0x1  }
0x64: {  	v1 =	vsub.f32 v3, v1;
	_ =	sdelay $0x1  }
0x65: {  	[tilespmem:v2+s9+$0x0] =	vst.idx.add.f32.msk $0xffff, v1  }
0x66: {  	v1 =	vld [tilespmem:s12+$0x15120];
	_ =	sdelay $0x4  }
0x67: {  	v2 =	vmul.f32 $6.553600000e+04, v1;
	_ =	sdelay $0x1  }
0x68: {  	v2 =	vtrunc.f32 v2  }
0x69: {  	v2 =	vcvt.f32.s32 v2;
	_ =	sdelay $0x5  }
0x6a: {  	v2 =	vld.idx.msk [tilespmem:v2+s2+$0x0], $0xffff;
	_ =	sdelay $0x2  }
0x6b: {  	v3 =	vand.u32 $0x1, v1  }
0x6c: {  	v3 =	vcvt.s32.f32 v3;
	_ =	sdelay $0x1  }
0x6d: {  	v1 =	vsub.f32 v3, v1;
	_ =	sdelay $0x1  }
0x6e: {  	[tilespmem:v2+s9+$0x0] =	vst.idx.add.f32.msk $0xffff, v1  }
0x6f: {  	v1 =	vld [tilespmem:s12+$0x15130];
	_ =	sdelay $0x4  }
0x70: {  	v2 =	vmul.f32 $6.553600000e+04, v1;
	_ =	sdelay $0x1  }
0x71: {  	v2 =	vtrunc.f32 v2  }
0x72: {  	v2 =	vcvt.f32.s32 v2;
	_ =	sdelay $0x5  }
0x73: {  	v2 =	vld.idx.msk [tilespmem:v2+s2+$0x0], $0xffff;
	_ =	sdelay $0x2  }
0x74: {  	v3 =	vand.u32 $0x1, v1  }
0x75: {  	v3 =	vcvt.s32.f32 v3;
	_ =	sdelay $0x1  }
0x76: {  	v1 =	vsub.f32 v3, v1;
	_ =	sdelay $0x1  }
0x77: {  	[tilespmem:v2+s9+$0x0] =	vst.idx.add.f32.msk $0xffff, v1  }
0x78: {  	v1 =	vld [tilespmem:s12+$0x15140];
	_ =	sdelay $0x4  }
0x79: {  	v2 =	vmul.f32 $6.553600000e+04, v1;
	_ =	sdelay $0x1  }
0x7a: {  	v2 =	vtrunc.f32 v2  }
0x7b: {  	v2 =	vcvt.f32.s32 v2;
	_ =	sdelay $0x5  }
0x7c: {  	v2 =	vld.idx.msk [tilespmem:v2+s2+$0x0], $0xffff;
	_ =	sdelay $0x2  }
0x7d: {  	v3 =	vand.u32 $0x1, v1  }
0x7e: {  	v3 =	vcvt.s32.f32 v3;
	_ =	sdelay $0x1  }
0x7f: {  	v1 =	vsub.f32 v3, v1;
	_ =	sdelay $0x1  }
0x80: {  	[tilespmem:v2+s9+$0x0] =	vst.idx.add.f32.msk $0xffff, v1  }
0x81: {  	v1 =	vld [tilespmem:s12+$0x15150];
	_ =	sdelay $0x4  }
0x82: {  	v2 =	vmul.f32 $6.553600000e+04, v1;
	_ =	sdelay $0x1  }
0x83: {  	v2 =	vtrunc.f32 v2  }
0x84: {  	v2 =	vcvt.f32.s32 v2;
	_ =	sdelay $0x5  }
0x85: {  	v2 =	vld.idx.msk [tilespmem:v2+s2+$0x0], $0xffff;
	_ =	sdelay $0x2  }
0x86: {  	v3 =	vand.u32 $0x1, v1  }
0x87: {  	v3 =	vcvt.s32.f32 v3;
	_ =	sdelay $0x1  }
0x88: {  	v1 =	vsub.f32 v3, v1;
	_ =	sdelay $0x1  }
0x89: {  	[tilespmem:v2+s9+$0x0] =	vst.idx.add.f32.msk $0xffff, v1  }
0x8a: {  	v1 =	vld [tilespmem:s12+$0x15160];
	_ =	sdelay $0x4  }
0x8b: {  	v2 =	vmul.f32 $6.553600000e+04, v1;
	_ =	sdelay $0x1  }
0x8c: {  	v2 =	vtrunc.f32 v2  }
0x8d: {  	v2 =	vcvt.f32.s32 v2;
	_ =	sdelay $0x5  }
0x8e: {  	v2 =	vld.idx.msk [tilespmem:v2+s2+$0x0], $0xffff;
	_ =	sdelay $0x2  }
0x8f: {  	v3 =	vand.u32 $0x1, v1  }
0x90: {  	v3 =	vcvt.s32.f32 v3;
	_ =	sdelay $0x1  }
0x91: {  	v1 =	vsub.f32 v3, v1;
	_ =	sdelay $0x1  }
0x92: {  	[tilespmem:v2+s9+$0x0] =	vst.idx.add.f32.msk $0xffff, v1  }
0x93: {  	v1 =	vld [tilespmem:s12+$0x15170];
	_ =	sdelay $0x4  }
0x94: {  	v2 =	vmul.f32 $6.553600000e+04, v1;
	_ =	sdelay $0x1  }
0x95: {  	v2 =	vtrunc.f32 v2  }
0x96: {  	v2 =	vcvt.f32.s32 v2;
	_ =	sdelay $0x5  }
0x97: {  	v2 =	vld.idx.msk [tilespmem:v2+s2+$0x0], $0xffff;
	_ =	sdelay $0x2  }
0x98: {  	v3 =	vand.u32 $0x1, v1  }
0x99: {  	v3 =	vcvt.s32.f32 v3;
	_ =	sdelay $0x1  }
0x9a: {  	v1 =	vsub.f32 v3, v1;
	_ =	sdelay $0x1  }
0x9b: {  	[tilespmem:v2+s9+$0x0] =	vst.idx.add.f32.msk $0xffff, v1  }
0x9c: {  	v1 =	vld [tilespmem:s12+$0x15180];
	_ =	sdelay $0x4  }
0x9d: {  	v2 =	vmul.f32 $6.553600000e+04, v1;
	_ =	sdelay $0x1  }
0x9e: {  	v2 =	vtrunc.f32 v2  }
0x9f: {  	v2 =	vcvt.f32.s32 v2;
	_ =	sdelay $0x5  }
0xa0: {  	v2 =	vld.idx.msk [tilespmem:v2+s2+$0x0], $0xffff;
	_ =	sdelay $0x2  }
0xa1: {  	v3 =	vand.u32 $0x1, v1  }
0xa2: {  	v3 =	vcvt.s32.f32 v3;
	_ =	sdelay $0x1  }
0xa3: {  	v1 =	vsub.f32 v3, v1;
	_ =	sdelay $0x1  }
0xa4: {  	[tilespmem:v2+s9+$0x0] =	vst.idx.add.f32.msk $0xffff, v1  }
0xa5: {  	v1 =	vld [tilespmem:s12+$0x15190];
	_ =	sdelay $0x4  }
0xa6: {  	v2 =	vmul.f32 $6.553600000e+04, v1;
	_ =	sdelay $0x1  }
0xa7: {  	v2 =	vtrunc.f32 v2  }
0xa8: {  	v2 =	vcvt.f32.s32 v2;
	_ =	sdelay $0x5  }
0xa9: {  	v2 =	vld.idx.msk [tilespmem:v2+s2+$0x0], $0xffff;
	_ =	sdelay $0x2  }
0xaa: {  	v3 =	vand.u32 $0x1, v1  }
0xab: {  	v3 =	vcvt.s32.f32 v3;
	_ =	sdelay $0x1  }
0xac: {  	v1 =	vsub.f32 v3, v1;
	_ =	sdelay $0x1  }
0xad: {  	[tilespmem:v2+s9+$0x0] =	vst.idx.add.f32.msk $0xffff, v1  }
0xae: {  	v1 =	vld [tilespmem:s12+$0x151A0];
	_ =	sdelay $0x4  }
0xaf: {  	v2 =	vmul.f32 $6.553600000e+04, v1;
	_ =	sdelay $0x1  }
0xb0: {  	v2 =	vtrunc.f32 v2  }
0xb1: {  	v2 =	vcvt.f32.s32 v2;
	_ =	sdelay $0x5  }
0xb2: {  	v2 =	vld.idx.msk [tilespmem:v2+s2+$0x0], $0xffff;
	_ =	sdelay $0x2  }
0xb3: {  	v3 =	vand.u32 $0x1, v1  }
0xb4: {  	v3 =	vcvt.s32.f32 v3;
	_ =	sdelay $0x1  }
0xb5: {  	v1 =	vsub.f32 v3, v1;
	_ =	sdelay $0x1  }
0xb6: {  	[tilespmem:v2+s9+$0x0] =	vst.idx.add.f32.msk $0xffff, v1  }
0xb7: {  	v1 =	vld [tilespmem:s12+$0x151B0];
	_ =	sdelay $0x4  }
0xb8: {  	v2 =	vmul.f32 $6.553600000e+04, v1;
	_ =	sdelay $0x1  }
0xb9: {  	v2 =	vtrunc.f32 v2  }
0xba: {  	v2 =	vcvt.f32.s32 v2;
	_ =	sdelay $0x5  }
0xbb: {  	v2 =	vld.idx.msk [tilespmem:v2+s2+$0x0], $0xffff;
	_ =	sdelay $0x2  }
0xbc: {  	v3 =	vand.u32 $0x1, v1  }
0xbd: {  	v3 =	vcvt.s32.f32 v3;
	_ =	sdelay $0x1  }
0xbe: {  	v1 =	vsub.f32 v3, v1;
	_ =	sdelay $0x1  }
0xbf: {  	[tilespmem:v2+s9+$0x0] =	vst.idx.add.f32.msk $0xffff, v1  }
0xc0: {  	v1 =	vld [tilespmem:s12+$0x151C0];
	_ =	sdelay $0x4  }
0xc1: {  	v2 =	vmul.f32 $6.553600000e+04, v1;
	_ =	sdelay $0x1  }
0xc2: {  	v2 =	vtrunc.f32 v2  }
0xc3: {  	v2 =	vcvt.f32.s32 v2;
	_ =	sdelay $0x5  }
0xc4: {  	v2 =	vld.idx.msk [tilespmem:v2+s2+$0x0], $0xffff;
	_ =	sdelay $0x2  }
0xc5: {  	v3 =	vand.u32 $0x1, v1  }
0xc6: {  	v3 =	vcvt.s32.f32 v3;
	_ =	sdelay $0x1  }
0xc7: {  	v1 =	vsub.f32 v3, v1;
	_ =	sdelay $0x1  }
0xc8: {  	[tilespmem:v2+s9+$0x0] =	vst.idx.add.f32.msk $0xffff, v1  }
0xc9: {  	v1 =	vld [tilespmem:s12+$0x151D0];
	_ =	sdelay $0x4  }
0xca: {  	v2 =	vmul.f32 $6.553600000e+04, v1;
	_ =	sdelay $0x1  }
0xcb: {  	v2 =	vtrunc.f32 v2  }
0xcc: {  	v2 =	vcvt.f32.s32 v2;
	_ =	sdelay $0x5  }
0xcd: {  	v2 =	vld.idx.msk [tilespmem:v2+s2+$0x0], $0xffff;
	_ =	sdelay $0x2  }
0xce: {  	v3 =	vand.u32 $0x1, v1  }
0xcf: {  	v3 =	vcvt.s32.f32 v3;
	_ =	sdelay $0x1  }
0xd0: {  	v1 =	vsub.f32 v3, v1;
	_ =	sdelay $0x1  }
0xd1: {  	[tilespmem:v2+s9+$0x0] =	vst.idx.add.f32.msk $0xffff, v1  }
0xd2: {  	v1 =	vld [tilespmem:s12+$0x151E0];
	_ =	sdelay $0x4  }
0xd3: {  	v2 =	vmul.f32 $6.553600000e+04, v1;
	_ =	sdelay $0x1  }
0xd4: {  	v2 =	vtrunc.f32 v2  }
0xd5: {  	v2 =	vcvt.f32.s32 v2;
	_ =	sdelay $0x5  }
0xd6: {  	v2 =	vld.idx.msk [tilespmem:v2+s2+$0x0], $0xffff;
	_ =	sdelay $0x2  }
0xd7: {  	v3 =	vand.u32 $0x1, v1  }
0xd8: {  	v3 =	vcvt.s32.f32 v3;
	_ =	sdelay $0x1  }
0xd9: {  	v1 =	vsub.f32 v3, v1;
	_ =	sdelay $0x1  }
0xda: {  	[tilespmem:v2+s9+$0x0] =	vst.idx.add.f32.msk $0xffff, v1  }
0xdb: {  	v1 =	vld [tilespmem:s12+$0x151F0];
	_ =	sdelay $0x4  }
0xdc: {  	v2 =	vmul.f32 $6.553600000e+04, v1;
	_ =	sdelay $0x1  }
0xdd: {  	v2 =	vtrunc.f32 v2  }
0xde: {  	v2 =	vcvt.f32.s32 v2;
	_ =	sdelay $0x5  }
0xdf: {  	v2 =	vld.idx.msk [tilespmem:v2+s2+$0x0], $0xffff;
	_ =	sdelay $0x2  }
0xe0: {  	v3 =	vand.u32 $0x1, v1  }
0xe1: {  	v3 =	vcvt.s32.f32 v3;
	_ =	sdelay $0x1  }
0xe2: {  	v1 =	vsub.f32 v3, v1;
	_ =	sdelay $0x1  }
0xe3: {  	[tilespmem:v2+s9+$0x0] =	vst.idx.add.f32.msk $0xffff, v1  }
0xe4: {  	v1 =	vld [tilespmem:s12+$0x15200];
	_ =	sdelay $0x4  }
0xe5: {  	v2 =	vmul.f32 $6.553600000e+04, v1;
	_ =	sdelay $0x1  }
0xe6: {  	v2 =	vtrunc.f32 v2  }
0xe7: {  	v2 =	vcvt.f32.s32 v2;
	_ =	sdelay $0x5  }
0xe8: {  	v2 =	vld.idx.msk [tilespmem:v2+s2+$0x0], $0xffff;
	_ =	sdelay $0x2  }
0xe9: {  	v3 =	vand.u32 $0x1, v1  }
0xea: {  	v3 =	vcvt.s32.f32 v3;
	_ =	sdelay $0x1  }
0xeb: {  	v1 =	vsub.f32 v3, v1;
	_ =	sdelay $0x1  }
0xec: {  	[tilespmem:v2+s9+$0x0] =	vst.idx.add.f32.msk $0xffff, v1  }
0xed: {  	v1 =	vld [tilespmem:s12+$0x15210];
	_ =	sdelay $0x4  }
0xee: {  	v2 =	vmul.f32 $6.553600000e+04, v1;
	_ =	sdelay $0x1  }
0xef: {  	v2 =	vtrunc.f32 v2  }
0xf0: {  	v2 =	vcvt.f32.s32 v2;
	_ =	sdelay $0x5  }
0xf1: {  	v2 =	vld.idx.msk [tilespmem:v2+s2+$0x0], $0xffff;
	_ =	sdelay $0x2  }
0xf2: {  	v3 =	vand.u32 $0x1, v1  }
0xf3: {  	v3 =	vcvt.s32.f32 v3;
	_ =	sdelay $0x1  }
0xf4: {  	v1 =	vsub.f32 v3, v1;
	_ =	sdelay $0x1  }
0xf5: {  	[tilespmem:v2+s9+$0x0] =	vst.idx.add.f32.msk $0xffff, v1  }
0xf6: {  	v1 =	vld [tilespmem:s12+$0x15220];
	_ =	sdelay $0x4  }
0xf7: {  	v2 =	vmul.f32 $6.553600000e+04, v1;
	_ =	sdelay $0x1  }
0xf8: {  	v2 =	vtrunc.f32 v2  }
0xf9: {  	v2 =	vcvt.f32.s32 v2;
	_ =	sdelay $0x5  }
0xfa: {  	v2 =	vld.idx.msk [tilespmem:v2+s2+$0x0], $0xffff;
	_ =	sdelay $0x2  }
0xfb: {  	v3 =	vand.u32 $0x1, v1  }
0xfc: {  	v3 =	vcvt.s32.f32 v3;
	_ =	sdelay $0x1  }
0xfd: {  	v1 =	vsub.f32 v3, v1;
	_ =	sdelay $0x1  }
0xfe: {  	[tilespmem:v2+s9+$0x0] =	vst.idx.add.f32.msk $0xffff, v1  }
0xff: {  	v1 =	vld [tilespmem:s12+$0x15230];
	_ =	sdelay $0x4  }
0x100: {  	v2 =	vmul.f32 $6.553600000e+04, v1;
	_ =	sdelay $0x1  }
0x101: {  	v2 =	vtrunc.f32 v2  }
0x102: {  	v2 =	vcvt.f32.s32 v2;
	_ =	sdelay $0x5  }
0x103: {  	v2 =	vld.idx.msk [tilespmem:v2+s2+$0x0], $0xffff;
	_ =	sdelay $0x2  }
0x104: {  	v3 =	vand.u32 $0x1, v1  }
0x105: {  	v3 =	vcvt.s32.f32 v3;
	_ =	sdelay $0x1  }
0x106: {  	v1 =	vsub.f32 v3, v1;
	_ =	sdelay $0x1  }
0x107: {  	[tilespmem:v2+s9+$0x0] =	vst.idx.add.f32.msk $0xffff, v1  }
0x108: {  	v1 =	vld [tilespmem:s12+$0x15240];
	_ =	sdelay $0x4  }
0x109: {  	v2 =	vmul.f32 $6.553600000e+04, v1;
	_ =	sdelay $0x1  }
0x10a: {  	v2 =	vtrunc.f32 v2  }
0x10b: {  	v2 =	vcvt.f32.s32 v2;
	_ =	sdelay $0x5  }
0x10c: {  	v2 =	vld.idx.msk [tilespmem:v2+s2+$0x0], $0xffff;
	_ =	sdelay $0x2  }
0x10d: {  	v3 =	vand.u32 $0x1, v1  }
0x10e: {  	v3 =	vcvt.s32.f32 v3;
	_ =	sdelay $0x1  }
0x10f: {  	v1 =	vsub.f32 v3, v1;
	_ =	sdelay $0x1  }
0x110: {  	[tilespmem:v2+s9+$0x0] =	vst.idx.add.f32.msk $0xffff, v1  }
0x111: {  	v1 =	vld [tilespmem:s12+$0x15250];
	_ =	sdelay $0x4  }
0x112: {  	v2 =	vmul.f32 $6.553600000e+04, v1;
	_ =	sdelay $0x1  }
0x113: {  	v2 =	vtrunc.f32 v2  }
0x114: {  	v2 =	vcvt.f32.s32 v2;
	_ =	sdelay $0x5  }
0x115: {  	v2 =	vld.idx.msk [tilespmem:v2+s2+$0x0], $0xffff;
	_ =	sdelay $0x2  }
0x116: {  	v3 =	vand.u32 $0x1, v1  }
0x117: {  	v3 =	vcvt.s32.f32 v3;
	_ =	sdelay $0x1  }
0x118: {  	v1 =	vsub.f32 v3, v1;
	_ =	sdelay $0x1  }
0x119: {  	[tilespmem:v2+s9+$0x0] =	vst.idx.add.f32.msk $0xffff, v1  }
0x11a: {  	v1 =	vld [tilespmem:s12+$0x15260];
	_ =	sdelay $0x4  }
0x11b: {  	v2 =	vmul.f32 $6.553600000e+04, v1;
	_ =	sdelay $0x1  }
0x11c: {  	v2 =	vtrunc.f32 v2  }
0x11d: {  	v2 =	vcvt.f32.s32 v2;
	_ =	sdelay $0x5  }
0x11e: {  	v2 =	vld.idx.msk [tilespmem:v2+s2+$0x0], $0xffff;
	_ =	sdelay $0x2  }
0x11f: {  	v3 =	vand.u32 $0x1, v1  }
0x120: {  	v3 =	vcvt.s32.f32 v3;
	_ =	sdelay $0x1  }
0x121: {  	v1 =	vsub.f32 v3, v1;
	_ =	sdelay $0x1  }
0x122: {  	[tilespmem:v2+s9+$0x0] =	vst.idx.add.f32.msk $0xffff, v1  }
0x123: {  	v1 =	vld [tilespmem:s12+$0x15270];
	_ =	sdelay $0x4  }
0x124: {  	v2 =	vmul.f32 $6.553600000e+04, v1;
	_ =	sdelay $0x1  }
0x125: {  	v2 =	vtrunc.f32 v2  }
0x126: {  	v2 =	vcvt.f32.s32 v2;
	_ =	sdelay $0x5  }
0x127: {  	v2 =	vld.idx.msk [tilespmem:v2+s2+$0x0], $0xffff;
	_ =	sdelay $0x2  }
0x128: {  	v3 =	vand.u32 $0x1, v1  }
0x129: {  	v3 =	vcvt.s32.f32 v3;
	_ =	sdelay $0x1  }
0x12a: {  	v1 =	vsub.f32 v3, v1;
	_ =	sdelay $0x1  }
0x12b: {  	[tilespmem:v2+s9+$0x0] =	vst.idx.add.f32.msk $0xffff, v1  }
0x12c: {  	v1 =	vld [tilespmem:s12+$0x15280];
	_ =	sdelay $0x4  }
0x12d: {  	v2 =	vmul.f32 $6.553600000e+04, v1;
	_ =	sdelay $0x1  }
0x12e: {  	v2 =	vtrunc.f32 v2  }
0x12f: {  	v2 =	vcvt.f32.s32 v2;
	_ =	sdelay $0x5  }
0x130: {  	v2 =	vld.idx.msk [tilespmem:v2+s2+$0x0], $0xffff;
	_ =	sdelay $0x2  }
0x131: {  	v3 =	vand.u32 $0x1, v1  }
0x132: {  	v3 =	vcvt.s32.f32 v3;
	_ =	sdelay $0x1  }
0x133: {  	v1 =	vsub.f32 v3, v1;
	_ =	sdelay $0x1  }
0x134: {  	[tilespmem:v2+s9+$0x0] =	vst.idx.add.f32.msk $0xffff, v1  }
0x135: {  	v1 =	vld [tilespmem:s12+$0x15290];
	_ =	sdelay $0x4  }
0x136: {  	v2 =	vmul.f32 $6.553600000e+04, v1;
	_ =	sdelay $0x1  }
0x137: {  	v2 =	vtrunc.f32 v2  }
0x138: {  	v2 =	vcvt.f32.s32 v2;
	_ =	sdelay $0x5  }
0x139: {  	v2 =	vld.idx.msk [tilespmem:v2+s2+$0x0], $0xffff;
	_ =	sdelay $0x2  }
0x13a: {  	v3 =	vand.u32 $0x1, v1  }
0x13b: {  	v3 =	vcvt.s32.f32 v3;
	_ =	sdelay $0x1  }
0x13c: {  	v1 =	vsub.f32 v3, v1;
	_ =	sdelay $0x1  }
0x13d: {  	[tilespmem:v2+s9+$0x0] =	vst.idx.add.f32.msk $0xffff, v1  }
0x13e: {  	v1 =	vld [tilespmem:s12+$0x152A0];
	_ =	sdelay $0x4  }
0x13f: {  	v2 =	vmul.f32 $6.553600000e+04, v1;
	_ =	sdelay $0x1  }
0x140: {  	v2 =	vtrunc.f32 v2  }
0x141: {  	v2 =	vcvt.f32.s32 v2;
	_ =	sdelay $0x5  }
0x142: {  	v2 =	vld.idx.msk [tilespmem:v2+s2+$0x0], $0xffff;
	_ =	sdelay $0x2  }
0x143: {  	v3 =	vand.u32 $0x1, v1  }
0x144: {  	v3 =	vcvt.s32.f32 v3;
	_ =	sdelay $0x1  }
0x145: {  	v1 =	vsub.f32 v3, v1;
	_ =	sdelay $0x1  }
0x146: {  	[tilespmem:v2+s9+$0x0] =	vst.idx.add.f32.msk $0xffff, v1  }
0x147: {  	v1 =	vld [tilespmem:s12+$0x152B0];
	_ =	sdelay $0x4  }
0x148: {  	v2 =	vmul.f32 $6.553600000e+04, v1;
	_ =	sdelay $0x1  }
0x149: {  	v2 =	vtrunc.f32 v2  }
0x14a: {  	v2 =	vcvt.f32.s32 v2;
	_ =	sdelay $0x5  }
0x14b: {  	v2 =	vld.idx.msk [tilespmem:v2+s2+$0x0], $0xffff;
	_ =	sdelay $0x2  }
0x14c: {  	v3 =	vand.u32 $0x1, v1  }
0x14d: {  	v3 =	vcvt.s32.f32 v3;
	_ =	sdelay $0x1  }
0x14e: {  	v1 =	vsub.f32 v3, v1;
	_ =	sdelay $0x1  }
0x14f: {  	[tilespmem:v2+s9+$0x0] =	vst.idx.add.f32.msk $0xffff, v1  }
0x150: {  	v1 =	vld [tilespmem:s12+$0x152C0];
	_ =	sdelay $0x4  }
0x151: {  	v2 =	vmul.f32 $6.553600000e+04, v1;
	_ =	sdelay $0x1  }
0x152: {  	v2 =	vtrunc.f32 v2  }
0x153: {  	v2 =	vcvt.f32.s32 v2;
	_ =	sdelay $0x5  }
0x154: {  	v2 =	vld.idx.msk [tilespmem:v2+s2+$0x0], $0xffff;
	_ =	sdelay $0x2  }
0x155: {  	v3 =	vand.u32 $0x1, v1  }
0x156: {  	v3 =	vcvt.s32.f32 v3;
	_ =	sdelay $0x1  }
0x157: {  	v1 =	vsub.f32 v3, v1;
	_ =	sdelay $0x1  }
0x158: {  	[tilespmem:v2+s9+$0x0] =	vst.idx.add.f32.msk $0xffff, v1  }
0x159: {  	v1 =	vld [tilespmem:s12+$0x152D0];
	_ =	sdelay $0x4  }
0x15a: {  	v2 =	vmul.f32 $6.553600000e+04, v1;
	_ =	sdelay $0x1  }
0x15b: {  	v2 =	vtrunc.f32 v2  }
0x15c: {  	v2 =	vcvt.f32.s32 v2;
	_ =	sdelay $0x5  }
0x15d: {  	v2 =	vld.idx.msk [tilespmem:v2+s2+$0x0], $0xffff;
	_ =	sdelay $0x2  }
0x15e: {  	v3 =	vand.u32 $0x1, v1  }
0x15f: {  	v3 =	vcvt.s32.f32 v3;
	_ =	sdelay $0x1  }
0x160: {  	v1 =	vsub.f32 v3, v1;
	_ =	sdelay $0x1  }
0x161: {  	[tilespmem:v2+s9+$0x0] =	vst.idx.add.f32.msk $0xffff, v1  }
0x162: {  	v1 =	vld [tilespmem:s12+$0x152E0];
	_ =	sdelay $0x4  }
0x163: {  	v2 =	vmul.f32 $6.553600000e+04, v1;
	_ =	sdelay $0x1  }
0x164: {  	v2 =	vtrunc.f32 v2  }
0x165: {  	v2 =	vcvt.f32.s32 v2;
	_ =	sdelay $0x5  }
0x166: {  	v2 =	vld.idx.msk [tilespmem:v2+s2+$0x0], $0xffff;
	_ =	sdelay $0x2  }
0x167: {  	v3 =	vand.u32 $0x1, v1  }
0x168: {  	v3 =	vcvt.s32.f32 v3;
	_ =	sdelay $0x1  }
0x169: {  	v1 =	vsub.f32 v3, v1;
	_ =	sdelay $0x1  }
0x16a: {  	[tilespmem:v2+s9+$0x0] =	vst.idx.add.f32.msk $0xffff, v1  }
0x16b: {  	v1 =	vld [tilespmem:s12+$0x152F0];
	_ =	sdelay $0x4  }
0x16c: {  	v2 =	vmul.f32 $6.553600000e+04, v1;
	_ =	sdelay $0x1  }
0x16d: {  	v2 =	vtrunc.f32 v2  }
0x16e: {  	v2 =	vcvt.f32.s32 v2;
	_ =	sdelay $0x5  }
0x16f: {  	v2 =	vld.idx.msk [tilespmem:v2+s2+$0x0], $0xffff;
	_ =	sdelay $0x2  }
0x170: {  	p0 =	sne.s32 s11, $0x1E800;
	v3 =	vand.u32 $0x1, v1  }
.Ltmp1:
0x171: {  	v3 =	vcvt.s32.f32 v3;
	(pc) =	sbr.rel @p0 .LBB2_4-.Ltmp1, $3  }
0x172: {  	_ = 	snop  }
0x173: {  	v1 =	vsub.f32 v3, v1;
	_ =	sdelay $0x1  }
0x174: {  	s11 =	sadd.s32 $0x800, s11;
	[tilespmem:v2+s9+$0x0] =	vst.idx.add.f32.msk $0xffff, v1  }
0x175: {  	s10 =	sadd.s32 $0x1, s10  }
0x176: {  	p0 =	sne.s32 s10, s6  }
.Ltmp2:
0x177: {  	_ = 	snop;
	(pc) =	sbr.rel @p0 .LBB2_1-.Ltmp2, $4  }
0x178: {  	[hbm4b:s5+s2] =	stream.linear.scatter [tilespmem:s9], [sflag:$0x1], $0x5000, $0x38;
	[tilespmem:$0x1CD00] =	vst v63  }
0x179: {  	_ =	swait.ge [sflag:s7], $0x5000  }
0x17a: {  	[sflag:s7] =	ssyncset.done $0x0  }
0x17b: {  	[sflag:s7] =	ssyncadd.s32 $0xFFFFB000  }
0x17c: {  	_ =	sfence.sel $0x180000  }
0x17d: {  	[bflag:$0x0] =	sbarrier.arrive $0xFFFF  }
0x17e: {  	p0 =	sne.s32 s0, $0x0;
	_ =	strace $0x9000004A  }
0x17f: {  	s0 =	sadd.s32 @!p0 $0x100000, s1;
	[bflag:$0x2] =	sbarrier.arrive $0xFFFF  }
0x180: {  	[sflag:s0] =	ssyncadd.tile.s32 @!p0 $0x1;
	_ =	shalt  }
.Lfunc_end2:
_tile_overlayer_lowered:
.L_overlay_start_2:
0x181: {  	(tag) =	ssettag $0x2  }
0x182: {  	s0 =	rddreg [dreg:$0x0];
	s2 =	stileid.u32  }
0x183: {  	s1 =	rddreg [dreg:$0x1];
	p0 =	sne.s32 s2, $0x0  }
0x184: {  	s3 =	rddreg [dreg:$0x2];
	[bflag:$0x3] =	sbarrier.arrive $0xFFFF;
	s2 =	simm.s32 @!p0 $0x1C01  }
0x185: {  	[timem:s3], [sflag:s2] =	dma.local @!p0 [hbm:s0], s1  }
0x186: {  	s0 =	simm.s32 @!p0 $0x1  }
0x187: {  	_ =	swait.ge @!p0 [sflag:s0], s1  }
0x188: {  	s1 =	ssub.s32 @!p0 $0x0, s1;
	[sflag:s0] =	ssyncset.done @!p0 $0x0  }
0x189: {  	[sflag:s0] =	ssyncadd.s32 @!p0 s1  }
0x18a: {  	[bflag:$0x3] =	sbarrier.arrive $0xFFFF  }
0x18b: {  	_ =	shalt  }

</sc_bundles>
